<compile_context>
chip_gen: v7x
topology: tpu7x:2x2x1
jax: 0.10.2.dev20260603
libtpu: 0.0.44.dev20260713+nightly
codegen_flags: <defaults>
</compile_context>

<pallas_src>
import jax
import jax.numpy as jnp
from jax import lax
from jax.experimental import pallas as pl
from jax.experimental.pallas import tpu as pltpu
from jax.experimental.pallas import tpu_sc as plsc

N_USERS = 100000
N_ITEMS = 1000
BATCH = 16384

_NC = 2
_NS = 16
_NW = _NC * _NS
_L = 16
_B_PER_W = BATCH // _NW
_NGRP = _B_PER_W // _L


def _gather_body(packed_hbm, tscores_hbm, out_hbm, pv, grp, vals, sem):
  wid = lax.axis_index("s") * _NC + lax.axis_index("c")
  base = wid * _B_PER_W
  pltpu.sync_copy(packed_hbm.at[pl.ds(base, _B_PER_W)], pv)

  def issue(g, _):
    p_vec = pv[pl.ds(g * _L, _L)]
    for j in range(_L):
      p = p_vec[j]
      it = p >> 20
      u0 = (p & 16383) * 8
      pltpu.async_copy(tscores_hbm.at[it, pl.ds(u0, 8)],
                       grp.at[pl.ds((g * _L + j) * 8, 8)], sem)
    return 0

  lax.fori_loop(0, _NGRP, issue, 0)

  pltpu.make_async_copy(out_hbm.at[pl.ds(0, _B_PER_W * 8)], grp, sem).wait()

  def extract(g, _):
    rows = lax.iota(jnp.int32, _L) * 8 + g * (_L * 8)
    lanes = (pv[pl.ds(g * _L, _L)] >> 17) & 7
    vals[pl.ds(g * _L, _L)] = plsc.load_gather(grp, [rows + lanes])
    return 0

  lax.fori_loop(0, _NGRP, extract, 0)

  pltpu.sync_copy(vals, out_hbm.at[pl.ds(base, _B_PER_W)])


def kernel(users, items, scores):
  users = users.astype(jnp.int32)
  items = items.astype(jnp.int32)
  packed = (items << 20) | ((users & 7) << 17) | (users >> 3)
  ts = scores.T
  mesh = plsc.VectorSubcoreMesh(core_axis_name="c", subcore_axis_name="s")
  return pl.kernel(
      _gather_body,
      out_type=jax.ShapeDtypeStruct((BATCH,), jnp.float32),
      mesh=mesh,
      scratch_types=[
          pltpu.VMEM((_B_PER_W,), jnp.int32),
          pltpu.VMEM((_B_PER_W * 8,), jnp.float32),
          pltpu.VMEM((_B_PER_W,), jnp.float32),
          pltpu.SemaphoreType.DMA,
      ],
      compiler_params=pltpu.CompilerParams(use_tc_tiling_on_sc=True,
                                           needs_layout_passes=False),
  )(packed, ts)

# --- scband reference (transcript-rebuilt; emitter-appended) ---
"""Pipeline reference for scband-fixed-score-model-14620068676152 (READ-ONLY COPY).

The authoritative reference and input builder live on the scoring server;
editing this copy changes nothing except your own understanding.
"""

import jax, jax.numpy as jnp
import numpy as np

N_USERS = 100000
N_ITEMS = 1000
BATCH = 16384

def setup_inputs(seed: int = 0) -> dict:
    key = jax.random.key(seed)
    k1, k2, k3 = jax.random.split(key, 3)
    users = jax.random.randint(k1, (BATCH,), 0, N_USERS, dtype=jnp.int64) if jax.config.jax_enable_x64 else jax.random.randint(k1, (BATCH,), 0, N_USERS, dtype=jnp.int32)
    items = jax.random.randint(k2, (BATCH,), 0, N_ITEMS, dtype=jnp.int32)
    scores = jax.random.normal(k3, (N_USERS, N_ITEMS), dtype=jnp.float32)
    return {"users": users, "items": items, "scores": scores}

def reference(users, items, scores):
    # Faithful translation of _FixedScoreModel.forward: scores[users, items]
    return scores[users, items]

if __name__ == "__main__":
    import jax
    _d = setup_inputs()
    print(jax.jit(kernel)(*tuple(_d.values())))

</pallas_src>

<mosaic_0001>
#map = affine_map<(d0, d1) -> (0)>
#map1 = affine_map<(d0, d1) -> (0, 0)>
module attributes {stable_mosaic.version = 14 : i64} {
  func.func @_gather_body(%arg0: i32, %arg1: i32, %arg2: memref<16384xi32, #tpu.memory_space<hbm>>, %arg3: memref<1000x100000xf32, #tpu.memory_space<hbm>>, %arg4: memref<16384xf32, #tpu.memory_space<hbm>>, %arg5: memref<512xi32, #tpu.memory_space<vmem>>, %arg6: memref<4096xf32, #tpu.memory_space<vmem>>, %arg7: memref<512xf32, #tpu.memory_space<vmem>>, %arg8: memref<!tpu.dma_semaphore, #tpu.memory_space<semaphore_mem>>) attributes {dimension_semantics = [#tpu.dimension_semantics<core_parallel>, #tpu.dimension_semantics<subcore_parallel>], iteration_bounds = array<i64: 2, 16>, scalar_prefetch = 0 : i64, scratch_operands = 4 : i64, tpu.core_type = #tpu.core_type<sc_vector_subcore>, window_params = [{transform_indices = #map}, {transform_indices = #map1}, {transform_indices = #map}]} {
    %mul3A = arith.constant 2 : i32
    %mul3A_0 = arith.muli %arg1, %mul3A : i32
    %add3A = arith.addi %mul3A_0, %arg0 : i32
    %mul3A_1 = arith.constant 512 : i32
    %mul3A_2 = arith.muli %add3A, %mul3A_1 : i32
    "tpu.region"() ({
      %run_scoped3A = tpu.sem_alloc : memref<!tpu.dma_semaphore, #tpu.memory_space<semaphore_mem>>
      %dma_start3A = tpu.memref_slice %arg2[%mul3A_2] : memref<16384xi32, #tpu.memory_space<hbm>> -> memref<512xi32, #tpu.memory_space<hbm>>
      %dma_start3A_19 = tpu.memref_slice %arg2[%mul3A_2] : memref<16384xi32, #tpu.memory_space<hbm>> -> memref<512xi32, #tpu.memory_space<hbm>>
      tpu.enqueue_dma source(%dma_start3A_19 : memref<512xi32, #tpu.memory_space<hbm>>) target(%arg5 : memref<512xi32, #tpu.memory_space<vmem>>) target_semaphore(%run_scoped3A : memref<!tpu.dma_semaphore, #tpu.memory_space<semaphore_mem>>)
      %dma_wait3A_20 = tpu.memref_slice %arg2[%mul3A_2] : memref<16384xi32, #tpu.memory_space<hbm>> -> memref<512xi32, #tpu.memory_space<hbm>>
      %dma_wait3A_21 = tpu.memref_slice %arg2[%mul3A_2] : memref<16384xi32, #tpu.memory_space<hbm>> -> memref<512xi32, #tpu.memory_space<hbm>>
      tpu.wait_dma2 semaphore(%run_scoped3A : memref<!tpu.dma_semaphore, #tpu.memory_space<semaphore_mem>>) src(%dma_wait3A_21 : memref<512xi32, #tpu.memory_space<hbm>>) dst(%arg5 : memref<512xi32, #tpu.memory_space<vmem>>)
      tpu.yield
    }) : () -> ()
    %scan3A = arith.constant 0 : i32
    %scan3A_3 = arith.constant 0 : i32
    %scan3A_4 = arith.constant 32 : i32
    %scan3A_5 = arith.addi %scan3A_3, %scan3A_4 : i32
    %scan3A_6 = arith.constant 1 : i32
    %scan3A_7 = scf.for %scan3A_19 = %scan3A_3 to %scan3A_5 step %scan3A_6 iter_args(%scan3A_20 = %scan3A) -> (i32)  : i32 {
      %mul3A_21 = arith.constant 16 : i32
      %mul3A_22 = arith.muli %scan3A_19, %mul3A_21 : i32
      %get3A = arith.index_cast %mul3A_22 : i32 to index
      %get3A_23 = tpu.vector_load %arg5[%get3A] {strides = array<i32>} : memref<512xi32, #tpu.memory_space<vmem>>, vector<16xi32>,
      %slice3A = vector.extract_strided_slice %get3A_23 {offsets = [0], sizes = [1], strides = [1]} : vector<16xi32> to vector<1xi32>
      %squeeze3A = vector.extract %slice3A[0] : i32 from vector<1xi32>
      %shift_right_arithmetic3A = arith.constant 20 : i32
      %shift_right_arithmetic3A_24 = arith.shrsi %squeeze3A, %shift_right_arithmetic3A : i32
      %and3A = arith.constant 16383 : i32
      %and3A_25 = arith.andi %squeeze3A, %and3A : i32
      %mul3A_26 = arith.constant 8 : i32
      %mul3A_27 = arith.muli %and3A_25, %mul3A_26 : i32
      %mul3A_28 = arith.constant 16 : i32
      %mul3A_29 = arith.muli %scan3A_19, %mul3A_28 : i32
      %add3A_30 = arith.constant 0 : i32
      %add3A_31 = arith.addi %mul3A_29, %add3A_30 : i32
      %mul3A_32 = arith.constant 8 : i32
      %mul3A_33 = arith.muli %add3A_31, %mul3A_32 : i32
      %dma_start3A = tpu.memref_slice %arg6[%mul3A_33] : memref<4096xf32, #tpu.memory_space<vmem>> -> memref<8xf32, #tpu.memory_space<vmem>>
      %dma_start3A_34 = tpu.memref_slice %arg3[%shift_right_arithmetic3A_24, %mul3A_27] : memref<1000x100000xf32, #tpu.memory_space<hbm>> -> memref<1x8xf32, #tpu.memory_space<hbm>>
      %dma_start3A_35 = tpu.memref_squeeze %dma_start3A_34 : memref<1x8xf32, #tpu.memory_space<hbm>> -> memref<8xf32, #tpu.memory_space<hbm>>
      %dma_start3A_36 = tpu.memref_slice %arg6[%mul3A_33] : memref<4096xf32, #tpu.memory_space<vmem>> -> memref<8xf32, #tpu.memory_space<vmem>>
      %dma_start3A_37 = tpu.memref_slice %arg3[%shift_right_arithmetic3A_24, %mul3A_27] : memref<1000x100000xf32, #tpu.memory_space<hbm>> -> memref<1x8xf32, #tpu.memory_space<hbm>>
      %dma_start3A_38 = tpu.memref_squeeze %dma_start3A_37 : memref<1x8xf32, #tpu.memory_space<hbm>> -> memref<8xf32, #tpu.memory_space<hbm>>
      tpu.enqueue_dma source(%dma_start3A_38 : memref<8xf32, #tpu.memory_space<hbm>>) target(%dma_start3A_36 : memref<8xf32, #tpu.memory_space<vmem>>) target_semaphore(%arg8 : memref<!tpu.dma_semaphore, #tpu.memory_space<semaphore_mem>>)
      %slice3A_39 = vector.extract_strided_slice %get3A_23 {offsets = [1], sizes = [1], strides = [1]} : vector<16xi32> to vector<1xi32>
      %squeeze3A_40 = vector.extract %slice3A_39[0] : i32 from vector<1xi32>
      %shift_right_arithmetic3A_41 = arith.constant 20 : i32
      %shift_right_arithmetic3A_42 = arith.shrsi %squeeze3A_40, %shift_right_arithmetic3A_41 : i32
      %and3A_43 = arith.constant 16383 : i32
      %and3A_44 = arith.andi %squeeze3A_40, %and3A_43 : i32
      %mul3A_45 = arith.constant 8 : i32
      %mul3A_46 = arith.muli %and3A_44, %mul3A_45 : i32
      %mul3A_47 = arith.constant 16 : i32
      %mul3A_48 = arith.muli %scan3A_19, %mul3A_47 : i32
      %add3A_49 = arith.constant 1 : i32
      %add3A_50 = arith.addi %mul3A_48, %add3A_49 : i32
      %mul3A_51 = arith.constant 8 : i32
      %mul3A_52 = arith.muli %add3A_50, %mul3A_51 : i32
      %dma_start3A_53 = tpu.memref_slice %arg6[%mul3A_52] : memref<4096xf32, #tpu.memory_space<vmem>> -> memref<8xf32, #tpu.memory_space<vmem>>
      %dma_start3A_54 = tpu.memref_slice %arg3[%shift_right_arithmetic3A_42, %mul3A_46] : memref<1000x100000xf32, #tpu.memory_space<hbm>> -> memref<1x8xf32, #tpu.memory_space<hbm>>
      %dma_start3A_55 = tpu.memref_squeeze %dma_start3A_54 : memref<1x8xf32, #tpu.memory_space<hbm>> -> memref<8xf32, #tpu.memory_space<hbm>>
      %dma_start3A_56 = tpu.memref_slice %arg6[%mul3A_52] : memref<4096xf32, #tpu.memory_space<vmem>> -> memref<8xf32, #tpu.memory_space<vmem>>
      %dma_start3A_57 = tpu.memref_slice %arg3[%shift_right_arithmetic3A_42, %mul3A_46] : memref<1000x100000xf32, #tpu.memory_space<hbm>> -> memref<1x8xf32, #tpu.memory_space<hbm>>
      %dma_start3A_58 = tpu.memref_squeeze %dma_start3A_57 : memref<1x8xf32, #tpu.memory_space<hbm>> -> memref<8xf32, #tpu.memory_space<hbm>>
      tpu.enqueue_dma source(%dma_start3A_58 : memref<8xf32, #tpu.memory_space<hbm>>) target(%dma_start3A_56 : memref<8xf32, #tpu.memory_space<vmem>>) target_semaphore(%arg8 : memref<!tpu.dma_semaphore, #tpu.memory_space<semaphore_mem>>)
      %slice3A_59 = vector.extract_strided_slice %get3A_23 {offsets = [2], sizes = [1], strides = [1]} : vector<16xi32> to vector<1xi32>
      %squeeze3A_60 = vector.extract %slice3A_59[0] : i32 from vector<1xi32>
      %shift_right_arithmetic3A_61 = arith.constant 20 : i32
      %shift_right_arithmetic3A_62 = arith.shrsi %squeeze3A_60, %shift_right_arithmetic3A_61 : i32
      %and3A_63 = arith.constant 16383 : i32
      %and3A_64 = arith.andi %squeeze3A_60, %and3A_63 : i32
      %mul3A_65 = arith.constant 8 : i32
      %mul3A_66 = arith.muli %and3A_64, %mul3A_65 : i32
      %mul3A_67 = arith.constant 16 : i32
      %mul3A_68 = arith.muli %scan3A_19, %mul3A_67 : i32
      %add3A_69 = arith.constant 2 : i32
      %add3A_70 = arith.addi %mul3A_68, %add3A_69 : i32
      %mul3A_71 = arith.constant 8 : i32
      %mul3A_72 = arith.muli %add3A_70, %mul3A_71 : i32
      %dma_start3A_73 = tpu.memref_slice %arg6[%mul3A_72] : memref<4096xf32, #tpu.memory_space<vmem>> -> memref<8xf32, #tpu.memory_space<vmem>>
      %dma_start3A_74 = tpu.memref_slice %arg3[%shift_right_arithmetic3A_62, %mul3A_66] : memref<1000x100000xf32, #tpu.memory_space<hbm>> -> memref<1x8xf32, #tpu.memory_space<hbm>>
      %dma_start3A_75 = tpu.memref_squeeze %dma_start3A_74 : memref<1x8xf32, #tpu.memory_space<hbm>> -> memref<8xf32, #tpu.memory_space<hbm>>
      %dma_start3A_76 = tpu.memref_slice %arg6[%mul3A_72] : memref<4096xf32, #tpu.memory_space<vmem>> -> memref<8xf32, #tpu.memory_space<vmem>>
      %dma_start3A_77 = tpu.memref_slice %arg3[%shift_right_arithmetic3A_62, %mul3A_66] : memref<1000x100000xf32, #tpu.memory_space<hbm>> -> memref<1x8xf32, #tpu.memory_space<hbm>>
      %dma_start3A_78 = tpu.memref_squeeze %dma_start3A_77 : memref<1x8xf32, #tpu.memory_space<hbm>> -> memref<8xf32, #tpu.memory_space<hbm>>
      tpu.enqueue_dma source(%dma_start3A_78 : memref<8xf32, #tpu.memory_space<hbm>>) target(%dma_start3A_76 : memref<8xf32, #tpu.memory_space<vmem>>) target_semaphore(%arg8 : memref<!tpu.dma_semaphore, #tpu.memory_space<semaphore_mem>>)
      %slice3A_79 = vector.extract_strided_slice %get3A_23 {offsets = [3], sizes = [1], strides = [1]} : vector<16xi32> to vector<1xi32>
      %squeeze3A_80 = vector.extract %slice3A_79[0] : i32 from vector<1xi32>
      %shift_right_arithmetic3A_81 = arith.constant 20 : i32
      %shift_right_arithmetic3A_82 = arith.shrsi %squeeze3A_80, %shift_right_arithmetic3A_81 : i32
      %and3A_83 = arith.constant 16383 : i32
      %and3A_84 = arith.andi %squeeze3A_80, %and3A_83 : i32
      %mul3A_85 = arith.constant 8 : i32
      %mul3A_86 = arith.muli %and3A_84, %mul3A_85 : i32
      %mul3A_87 = arith.constant 16 : i32
      %mul3A_88 = arith.muli %scan3A_19, %mul3A_87 : i32
      %add3A_89 = arith.constant 3 : i32
      %add3A_90 = arith.addi %mul3A_88, %add3A_89 : i32
      %mul3A_91 = arith.constant 8 : i32
      %mul3A_92 = arith.muli %add3A_90, %mul3A_91 : i32
      %dma_start3A_93 = tpu.memref_slice %arg6[%mul3A_92] : memref<4096xf32, #tpu.memory_space<vmem>> -> memref<8xf32, #tpu.memory_space<vmem>>
      %dma_start3A_94 = tpu.memref_slice %arg3[%shift_right_arithmetic3A_82, %mul3A_86] : memref<1000x100000xf32, #tpu.memory_space<hbm>> -> memref<1x8xf32, #tpu.memory_space<hbm>>
      %dma_start3A_95 = tpu.memref_squeeze %dma_start3A_94 : memref<1x8xf32, #tpu.memory_space<hbm>> -> memref<8xf32, #tpu.memory_space<hbm>>
      %dma_start3A_96 = tpu.memref_slice %arg6[%mul3A_92] : memref<4096xf32, #tpu.memory_space<vmem>> -> memref<8xf32, #tpu.memory_space<vmem>>
      %dma_start3A_97 = tpu.memref_slice %arg3[%shift_right_arithmetic3A_82, %mul3A_86] : memref<1000x100000xf32, #tpu.memory_space<hbm>> -> memref<1x8xf32, #tpu.memory_space<hbm>>
      %dma_start3A_98 = tpu.memref_squeeze %dma_start3A_97 : memref<1x8xf32, #tpu.memory_space<hbm>> -> memref<8xf32, #tpu.memory_space<hbm>>
      tpu.enqueue_dma source(%dma_start3A_98 : memref<8xf32, #tpu.memory_space<hbm>>) target(%dma_start3A_96 : memref<8xf32, #tpu.memory_space<vmem>>) target_semaphore(%arg8 : memref<!tpu.dma_semaphore, #tpu.memory_space<semaphore_mem>>)
      %slice3A_99 = vector.extract_strided_slice %get3A_23 {offsets = [4], sizes = [1], strides = [1]} : vector<16xi32> to vector<1xi32>
      %squeeze3A_100 = vector.extract %slice3A_99[0] : i32 from vector<1xi32>
      %shift_right_arithmetic3A_101 = arith.constant 20 : i32
      %shift_right_arithmetic3A_102 = arith.shrsi %squeeze3A_100, %shift_right_arithmetic3A_101 : i32
      %and3A_103 = arith.constant 16383 : i32
      %and3A_104 = arith.andi %squeeze3A_100, %and3A_103 : i32
      %mul3A_105 = arith.constant 8 : i32
      %mul3A_106 = arith.muli %and3A_104, %mul3A_105 : i32
      %mul3A_107 = arith.constant 16 : i32
      %mul3A_108 = arith.muli %scan3A_19, %mul3A_107 : i32
      %add3A_109 = arith.constant 4 : i32
      %add3A_110 = arith.addi %mul3A_108, %add3A_109 : i32
      %mul3A_111 = arith.constant 8 : i32
      %mul3A_112 = arith.muli %add3A_110, %mul3A_111 : i32
      %dma_start3A_113 = tpu.memref_slice %arg6[%mul3A_112] : memref<4096xf32, #tpu.memory_space<vmem>> -> memref<8xf32, #tpu.memory_space<vmem>>
      %dma_start3A_114 = tpu.memref_slice %arg3[%shift_right_arithmetic3A_102, %mul3A_106] : memref<1000x100000xf32, #tpu.memory_space<hbm>> -> memref<1x8xf32, #tpu.memory_space<hbm>>
      %dma_start3A_115 = tpu.memref_squeeze %dma_start3A_114 : memref<1x8xf32, #tpu.memory_space<hbm>> -> memref<8xf32, #tpu.memory_space<hbm>>
      %dma_start3A_116 = tpu.memref_slice %arg6[%mul3A_112] : memref<4096xf32, #tpu.memory_space<vmem>> -> memref<8xf32, #tpu.memory_space<vmem>>
      %dma_start3A_117 = tpu.memref_slice %arg3[%shift_right_arithmetic3A_102, %mul3A_106] : memref<1000x100000xf32, #tpu.memory_space<hbm>> -> memref<1x8xf32, #tpu.memory_space<hbm>>
      %dma_start3A_118 = tpu.memref_squeeze %dma_start3A_117 : memref<1x8xf32, #tpu.memory_space<hbm>> -> memref<8xf32, #tpu.memory_space<hbm>>
      tpu.enqueue_dma source(%dma_start3A_118 : memref<8xf32, #tpu.memory_space<hbm>>) target(%dma_start3A_116 : memref<8xf32, #tpu.memory_space<vmem>>) target_semaphore(%arg8 : memref<!tpu.dma_semaphore, #tpu.memory_space<semaphore_mem>>)
      %slice3A_119 = vector.extract_strided_slice %get3A_23 {offsets = [5], sizes = [1], strides = [1]} : vector<16xi32> to vector<1xi32>
      %squeeze3A_120 = vector.extract %slice3A_119[0] : i32 from vector<1xi32>
      %shift_right_arithmetic3A_121 = arith.constant 20 : i32
      %shift_right_arithmetic3A_122 = arith.shrsi %squeeze3A_120, %shift_right_arithmetic3A_121 : i32
      %and3A_123 = arith.constant 16383 : i32
      %and3A_124 = arith.andi %squeeze3A_120, %and3A_123 : i32
      %mul3A_125 = arith.constant 8 : i32
      %mul3A_126 = arith.muli %and3A_124, %mul3A_125 : i32
      %mul3A_127 = arith.constant 16 : i32
      %mul3A_128 = arith.muli %scan3A_19, %mul3A_127 : i32
      %add3A_129 = arith.constant 5 : i32
      %add3A_130 = arith.addi %mul3A_128, %add3A_129 : i32
      %mul3A_131 = arith.constant 8 : i32
      %mul3A_132 = arith.muli %add3A_130, %mul3A_131 : i32
      %dma_start3A_133 = tpu.memref_slice %arg6[%mul3A_132] : memref<4096xf32, #tpu.memory_space<vmem>> -> memref<8xf32, #tpu.memory_space<vmem>>
      %dma_start3A_134 = tpu.memref_slice %arg3[%shift_right_arithmetic3A_122, %mul3A_126] : memref<1000x100000xf32, #tpu.memory_space<hbm>> -> memref<1x8xf32, #tpu.memory_space<hbm>>
      %dma_start3A_135 = tpu.memref_squeeze %dma_start3A_134 : memref<1x8xf32, #tpu.memory_space<hbm>> -> memref<8xf32, #tpu.memory_space<hbm>>
      %dma_start3A_136 = tpu.memref_slice %arg6[%mul3A_132] : memref<4096xf32, #tpu.memory_space<vmem>> -> memref<8xf32, #tpu.memory_space<vmem>>
      %dma_start3A_137 = tpu.memref_slice %arg3[%shift_right_arithmetic3A_122, %mul3A_126] : memref<1000x100000xf32, #tpu.memory_space<hbm>> -> memref<1x8xf32, #tpu.memory_space<hbm>>
      %dma_start3A_138 = tpu.memref_squeeze %dma_start3A_137 : memref<1x8xf32, #tpu.memory_space<hbm>> -> memref<8xf32, #tpu.memory_space<hbm>>
      tpu.enqueue_dma source(%dma_start3A_138 : memref<8xf32, #tpu.memory_space<hbm>>) target(%dma_start3A_136 : memref<8xf32, #tpu.memory_space<vmem>>) target_semaphore(%arg8 : memref<!tpu.dma_semaphore, #tpu.memory_space<semaphore_mem>>)
      %slice3A_139 = vector.extract_strided_slice %get3A_23 {offsets = [6], sizes = [1], strides = [1]} : vector<16xi32> to vector<1xi32>
      %squeeze3A_140 = vector.extract %slice3A_139[0] : i32 from vector<1xi32>
      %shift_right_arithmetic3A_141 = arith.constant 20 : i32
      %shift_right_arithmetic3A_142 = arith.shrsi %squeeze3A_140, %shift_right_arithmetic3A_141 : i32
      %and3A_143 = arith.constant 16383 : i32
      %and3A_144 = arith.andi %squeeze3A_140, %and3A_143 : i32
      %mul3A_145 = arith.constant 8 : i32
      %mul3A_146 = arith.muli %and3A_144, %mul3A_145 : i32
      %mul3A_147 = arith.constant 16 : i32
      %mul3A_148 = arith.muli %scan3A_19, %mul3A_147 : i32
      %add3A_149 = arith.constant 6 : i32
      %add3A_150 = arith.addi %mul3A_148, %add3A_149 : i32
      %mul3A_151 = arith.constant 8 : i32
      %mul3A_152 = arith.muli %add3A_150, %mul3A_151 : i32
      %dma_start3A_153 = tpu.memref_slice %arg6[%mul3A_152] : memref<4096xf32, #tpu.memory_space<vmem>> -> memref<8xf32, #tpu.memory_space<vmem>>
      %dma_start3A_154 = tpu.memref_slice %arg3[%shift_right_arithmetic3A_142, %mul3A_146] : memref<1000x100000xf32, #tpu.memory_space<hbm>> -> memref<1x8xf32, #tpu.memory_space<hbm>>
      %dma_start3A_155 = tpu.memref_squeeze %dma_start3A_154 : memref<1x8xf32, #tpu.memory_space<hbm>> -> memref<8xf32, #tpu.memory_space<hbm>>
      %dma_start3A_156 = tpu.memref_slice %arg6[%mul3A_152] : memref<4096xf32, #tpu.memory_space<vmem>> -> memref<8xf32, #tpu.memory_space<vmem>>
      %dma_start3A_157 = tpu.memref_slice %arg3[%shift_right_arithmetic3A_142, %mul3A_146] : memref<1000x100000xf32, #tpu.memory_space<hbm>> -> memref<1x8xf32, #tpu.memory_space<hbm>>
      %dma_start3A_158 = tpu.memref_squeeze %dma_start3A_157 : memref<1x8xf32, #tpu.memory_space<hbm>> -> memref<8xf32, #tpu.memory_space<hbm>>
      tpu.enqueue_dma source(%dma_start3A_158 : memref<8xf32, #tpu.memory_space<hbm>>) target(%dma_start3A_156 : memref<8xf32, #tpu.memory_space<vmem>>) target_semaphore(%arg8 : memref<!tpu.dma_semaphore, #tpu.memory_space<semaphore_mem>>)
      %slice3A_159 = vector.extract_strided_slice %get3A_23 {offsets = [7], sizes = [1], strides = [1]} : vector<16xi32> to vector<1xi32>
      %squeeze3A_160 = vector.extract %slice3A_159[0] : i32 from vector<1xi32>
      %shift_right_arithmetic3A_161 = arith.constant 20 : i32
      %shift_right_arithmetic3A_162 = arith.shrsi %squeeze3A_160, %shift_right_arithmetic3A_161 : i32
      %and3A_163 = arith.constant 16383 : i32
      %and3A_164 = arith.andi %squeeze3A_160, %and3A_163 : i32
      %mul3A_165 = arith.constant 8 : i32
      %mul3A_166 = arith.muli %and3A_164, %mul3A_165 : i32
      %mul3A_167 = arith.constant 16 : i32
      %mul3A_168 = arith.muli %scan3A_19, %mul3A_167 : i32
      %add3A_169 = arith.constant 7 : i32
      %add3A_170 = arith.addi %mul3A_168, %add3A_169 : i32
      %mul3A_171 = arith.constant 8 : i32
      %mul3A_172 = arith.muli %add3A_170, %mul3A_171 : i32
      %dma_start3A_173 = tpu.memref_slice %arg6[%mul3A_172] : memref<4096xf32, #tpu.memory_space<vmem>> -> memref<8xf32, #tpu.memory_space<vmem>>
      %dma_start3A_174 = tpu.memref_slice %arg3[%shift_right_arithmetic3A_162, %mul3A_166] : memref<1000x100000xf32, #tpu.memory_space<hbm>> -> memref<1x8xf32, #tpu.memory_space<hbm>>
      %dma_start3A_175 = tpu.memref_squeeze %dma_start3A_174 : memref<1x8xf32, #tpu.memory_space<hbm>> -> memref<8xf32, #tpu.memory_space<hbm>>
      %dma_start3A_176 = tpu.memref_slice %arg6[%mul3A_172] : memref<4096xf32, #tpu.memory_space<vmem>> -> memref<8xf32, #tpu.memory_space<vmem>>
      %dma_start3A_177 = tpu.memref_slice %arg3[%shift_right_arithmetic3A_162, %mul3A_166] : memref<1000x100000xf32, #tpu.memory_space<hbm>> -> memref<1x8xf32, #tpu.memory_space<hbm>>
      %dma_start3A_178 = tpu.memref_squeeze %dma_start3A_177 : memref<1x8xf32, #tpu.memory_space<hbm>> -> memref<8xf32, #tpu.memory_space<hbm>>
      tpu.enqueue_dma source(%dma_start3A_178 : memref<8xf32, #tpu.memory_space<hbm>>) target(%dma_start3A_176 : memref<8xf32, #tpu.memory_space<vmem>>) target_semaphore(%arg8 : memref<!tpu.dma_semaphore, #tpu.memory_space<semaphore_mem>>)
      %slice3A_179 = vector.extract_strided_slice %get3A_23 {offsets = [8], sizes = [1], strides = [1]} : vector<16xi32> to vector<1xi32>
      %squeeze3A_180 = vector.extract %slice3A_179[0] : i32 from vector<1xi32>
      %shift_right_arithmetic3A_181 = arith.constant 20 : i32
      %shift_right_arithmetic3A_182 = arith.shrsi %squeeze3A_180, %shift_right_arithmetic3A_181 : i32
      %and3A_183 = arith.constant 16383 : i32
      %and3A_184 = arith.andi %squeeze3A_180, %and3A_183 : i32
      %mul3A_185 = arith.constant 8 : i32
      %mul3A_186 = arith.muli %and3A_184, %mul3A_185 : i32
      %mul3A_187 = arith.constant 16 : i32
      %mul3A_188 = arith.muli %scan3A_19, %mul3A_187 : i32
      %add3A_189 = arith.constant 8 : i32
      %add3A_190 = arith.addi %mul3A_188, %add3A_189 : i32
      %mul3A_191 = arith.constant 8 : i32
      %mul3A_192 = arith.muli %add3A_190, %mul3A_191 : i32
      %dma_start3A_193 = tpu.memref_slice %arg6[%mul3A_192] : memref<4096xf32, #tpu.memory_space<vmem>> -> memref<8xf32, #tpu.memory_space<vmem>>
      %dma_start3A_194 = tpu.memref_slice %arg3[%shift_right_arithmetic3A_182, %mul3A_186] : memref<1000x100000xf32, #tpu.memory_space<hbm>> -> memref<1x8xf32, #tpu.memory_space<hbm>>
      %dma_start3A_195 = tpu.memref_squeeze %dma_start3A_194 : memref<1x8xf32, #tpu.memory_space<hbm>> -> memref<8xf32, #tpu.memory_space<hbm>>
      %dma_start3A_196 = tpu.memref_slice %arg6[%mul3A_192] : memref<4096xf32, #tpu.memory_space<vmem>> -> memref<8xf32, #tpu.memory_space<vmem>>
      %dma_start3A_197 = tpu.memref_slice %arg3[%shift_right_arithmetic3A_182, %mul3A_186] : memref<1000x100000xf32, #tpu.memory_space<hbm>> -> memref<1x8xf32, #tpu.memory_space<hbm>>
      %dma_start3A_198 = tpu.memref_squeeze %dma_start3A_197 : memref<1x8xf32, #tpu.memory_space<hbm>> -> memref<8xf32, #tpu.memory_space<hbm>>
      tpu.enqueue_dma source(%dma_start3A_198 : memref<8xf32, #tpu.memory_space<hbm>>) target(%dma_start3A_196 : memref<8xf32, #tpu.memory_space<vmem>>) target_semaphore(%arg8 : memref<!tpu.dma_semaphore, #tpu.memory_space<semaphore_mem>>)
      %slice3A_199 = vector.extract_strided_slice %get3A_23 {offsets = [9], sizes = [1], strides = [1]} : vector<16xi32> to vector<1xi32>
      %squeeze3A_200 = vector.extract %slice3A_199[0] : i32 from vector<1xi32>
      %shift_right_arithmetic3A_201 = arith.constant 20 : i32
      %shift_right_arithmetic3A_202 = arith.shrsi %squeeze3A_200, %shift_right_arithmetic3A_201 : i32
      %and3A_203 = arith.constant 16383 : i32
      %and3A_204 = arith.andi %squeeze3A_200, %and3A_203 : i32
      %mul3A_205 = arith.constant 8 : i32
      %mul3A_206 = arith.muli %and3A_204, %mul3A_205 : i32
      %mul3A_207 = arith.constant 16 : i32
      %mul3A_208 = arith.muli %scan3A_19, %mul3A_207 : i32
      %add3A_209 = arith.constant 9 : i32
      %add3A_210 = arith.addi %mul3A_208, %add3A_209 : i32
      %mul3A_211 = arith.constant 8 : i32
      %mul3A_212 = arith.muli %add3A_210, %mul3A_211 : i32
      %dma_start3A_213 = tpu.memref_slice %arg6[%mul3A_212] : memref<4096xf32, #tpu.memory_space<vmem>> -> memref<8xf32, #tpu.memory_space<vmem>>
      %dma_start3A_214 = tpu.memref_slice %arg3[%shift_right_arithmetic3A_202, %mul3A_206] : memref<1000x100000xf32, #tpu.memory_space<hbm>> -> memref<1x8xf32, #tpu.memory_space<hbm>>
      %dma_start3A_215 = tpu.memref_squeeze %dma_start3A_214 : memref<1x8xf32, #tpu.memory_space<hbm>> -> memref<8xf32, #tpu.memory_space<hbm>>
      %dma_start3A_216 = tpu.memref_slice %arg6[%mul3A_212] : memref<4096xf32, #tpu.memory_space<vmem>> -> memref<8xf32, #tpu.memory_space<vmem>>
      %dma_start3A_217 = tpu.memref_slice %arg3[%shift_right_arithmetic3A_202, %mul3A_206] : memref<1000x100000xf32, #tpu.memory_space<hbm>> -> memref<1x8xf32, #tpu.memory_space<hbm>>
      %dma_start3A_218 = tpu.memref_squeeze %dma_start3A_217 : memref<1x8xf32, #tpu.memory_space<hbm>> -> memref<8xf32, #tpu.memory_space<hbm>>
      tpu.enqueue_dma source(%dma_start3A_218 : memref<8xf32, #tpu.memory_space<hbm>>) target(%dma_start3A_216 : memref<8xf32, #tpu.memory_space<vmem>>) target_semaphore(%arg8 : memref<!tpu.dma_semaphore, #tpu.memory_space<semaphore_mem>>)
      %slice3A_219 = vector.extract_strided_slice %get3A_23 {offsets = [10], sizes = [1], strides = [1]} : vector<16xi32> to vector<1xi32>
      %squeeze3A_220 = vector.extract %slice3A_219[0] : i32 from vector<1xi32>
      %shift_right_arithmetic3A_221 = arith.constant 20 : i32
      %shift_right_arithmetic3A_222 = arith.shrsi %squeeze3A_220, %shift_right_arithmetic3A_221 : i32
      %and3A_223 = arith.constant 16383 : i32
      %and3A_224 = arith.andi %squeeze3A_220, %and3A_223 : i32
      %mul3A_225 = arith.constant 8 : i32
      %mul3A_226 = arith.muli %and3A_224, %mul3A_225 : i32
      %mul3A_227 = arith.constant 16 : i32
      %mul3A_228 = arith.muli %scan3A_19, %mul3A_227 : i32
      %add3A_229 = arith.constant 10 : i32
      %add3A_230 = arith.addi %mul3A_228, %add3A_229 : i32
      %mul3A_231 = arith.constant 8 : i32
      %mul3A_232 = arith.muli %add3A_230, %mul3A_231 : i32
      %dma_start3A_233 = tpu.memref_slice %arg6[%mul3A_232] : memref<4096xf32, #tpu.memory_space<vmem>> -> memref<8xf32, #tpu.memory_space<vmem>>
      %dma_start3A_234 = tpu.memref_slice %arg3[%shift_right_arithmetic3A_222, %mul3A_226] : memref<1000x100000xf32, #tpu.memory_space<hbm>> -> memref<1x8xf32, #tpu.memory_space<hbm>>
      %dma_start3A_235 = tpu.memref_squeeze %dma_start3A_234 : memref<1x8xf32, #tpu.memory_space<hbm>> -> memref<8xf32, #tpu.memory_space<hbm>>
      %dma_start3A_236 = tpu.memref_slice %arg6[%mul3A_232] : memref<4096xf32, #tpu.memory_space<vmem>> -> memref<8xf32, #tpu.memory_space<vmem>>
      %dma_start3A_237 = tpu.memref_slice %arg3[%shift_right_arithmetic3A_222, %mul3A_226] : memref<1000x100000xf32, #tpu.memory_space<hbm>> -> memref<1x8xf32, #tpu.memory_space<hbm>>
      %dma_start3A_238 = tpu.memref_squeeze %dma_start3A_237 : memref<1x8xf32, #tpu.memory_space<hbm>> -> memref<8xf32, #tpu.memory_space<hbm>>
      tpu.enqueue_dma source(%dma_start3A_238 : memref<8xf32, #tpu.memory_space<hbm>>) target(%dma_start3A_236 : memref<8xf32, #tpu.memory_space<vmem>>) target_semaphore(%arg8 : memref<!tpu.dma_semaphore, #tpu.memory_space<semaphore_mem>>)
      %slice3A_239 = vector.extract_strided_slice %get3A_23 {offsets = [11], sizes = [1], strides = [1]} : vector<16xi32> to vector<1xi32>
      %squeeze3A_240 = vector.extract %slice3A_239[0] : i32 from vector<1xi32>
      %shift_right_arithmetic3A_241 = arith.constant 20 : i32
      %shift_right_arithmetic3A_242 = arith.shrsi %squeeze3A_240, %shift_right_arithmetic3A_241 : i32
      %and3A_243 = arith.constant 16383 : i32
      %and3A_244 = arith.andi %squeeze3A_240, %and3A_243 : i32
      %mul3A_245 = arith.constant 8 : i32
      %mul3A_246 = arith.muli %and3A_244, %mul3A_245 : i32
      %mul3A_247 = arith.constant 16 : i32
      %mul3A_248 = arith.muli %scan3A_19, %mul3A_247 : i32
      %add3A_249 = arith.constant 11 : i32
      %add3A_250 = arith.addi %mul3A_248, %add3A_249 : i32
      %mul3A_251 = arith.constant 8 : i32
      %mul3A_252 = arith.muli %add3A_250, %mul3A_251 : i32
      %dma_start3A_253 = tpu.memref_slice %arg6[%mul3A_252] : memref<4096xf32, #tpu.memory_space<vmem>> -> memref<8xf32, #tpu.memory_space<vmem>>
      %dma_start3A_254 = tpu.memref_slice %arg3[%shift_right_arithmetic3A_242, %mul3A_246] : memref<1000x100000xf32, #tpu.memory_space<hbm>> -> memref<1x8xf32, #tpu.memory_space<hbm>>
      %dma_start3A_255 = tpu.memref_squeeze %dma_start3A_254 : memref<1x8xf32, #tpu.memory_space<hbm>> -> memref<8xf32, #tpu.memory_space<hbm>>
      %dma_start3A_256 = tpu.memref_slice %arg6[%mul3A_252] : memref<4096xf32, #tpu.memory_space<vmem>> -> memref<8xf32, #tpu.memory_space<vmem>>
      %dma_start3A_257 = tpu.memref_slice %arg3[%shift_right_arithmetic3A_242, %mul3A_246] : memref<1000x100000xf32, #tpu.memory_space<hbm>> -> memref<1x8xf32, #tpu.memory_space<hbm>>
      %dma_start3A_258 = tpu.memref_squeeze %dma_start3A_257 : memref<1x8xf32, #tpu.memory_space<hbm>> -> memref<8xf32, #tpu.memory_space<hbm>>
      tpu.enqueue_dma source(%dma_start3A_258 : memref<8xf32, #tpu.memory_space<hbm>>) target(%dma_start3A_256 : memref<8xf32, #tpu.memory_space<vmem>>) target_semaphore(%arg8 : memref<!tpu.dma_semaphore, #tpu.memory_space<semaphore_mem>>)
      %slice3A_259 = vector.extract_strided_slice %get3A_23 {offsets = [12], sizes = [1], strides = [1]} : vector<16xi32> to vector<1xi32>
      %squeeze3A_260 = vector.extract %slice3A_259[0] : i32 from vector<1xi32>
      %shift_right_arithmetic3A_261 = arith.constant 20 : i32
      %shift_right_arithmetic3A_262 = arith.shrsi %squeeze3A_260, %shift_right_arithmetic3A_261 : i32
      %and3A_263 = arith.constant 16383 : i32
      %and3A_264 = arith.andi %squeeze3A_260, %and3A_263 : i32
      %mul3A_265 = arith.constant 8 : i32
      %mul3A_266 = arith.muli %and3A_264, %mul3A_265 : i32
      %mul3A_267 = arith.constant 16 : i32
      %mul3A_268 = arith.muli %scan3A_19, %mul3A_267 : i32
      %add3A_269 = arith.constant 12 : i32
      %add3A_270 = arith.addi %mul3A_268, %add3A_269 : i32
      %mul3A_271 = arith.constant 8 : i32
      %mul3A_272 = arith.muli %add3A_270, %mul3A_271 : i32
      %dma_start3A_273 = tpu.memref_slice %arg6[%mul3A_272] : memref<4096xf32, #tpu.memory_space<vmem>> -> memref<8xf32, #tpu.memory_space<vmem>>
      %dma_start3A_274 = tpu.memref_slice %arg3[%shift_right_arithmetic3A_262, %mul3A_266] : memref<1000x100000xf32, #tpu.memory_space<hbm>> -> memref<1x8xf32, #tpu.memory_space<hbm>>
      %dma_start3A_275 = tpu.memref_squeeze %dma_start3A_274 : memref<1x8xf32, #tpu.memory_space<hbm>> -> memref<8xf32, #tpu.memory_space<hbm>>
      %dma_start3A_276 = tpu.memref_slice %arg6[%mul3A_272] : memref<4096xf32, #tpu.memory_space<vmem>> -> memref<8xf32, #tpu.memory_space<vmem>>
      %dma_start3A_277 = tpu.memref_slice %arg3[%shift_right_arithmetic3A_262, %mul3A_266] : memref<1000x100000xf32, #tpu.memory_space<hbm>> -> memref<1x8xf32, #tpu.memory_space<hbm>>
      %dma_start3A_278 = tpu.memref_squeeze %dma_start3A_277 : memref<1x8xf32, #tpu.memory_space<hbm>> -> memref<8xf32, #tpu.memory_space<hbm>>
      tpu.enqueue_dma source(%dma_start3A_278 : memref<8xf32, #tpu.memory_space<hbm>>) target(%dma_start3A_276 : memref<8xf32, #tpu.memory_space<vmem>>) target_semaphore(%arg8 : memref<!tpu.dma_semaphore, #tpu.memory_space<semaphore_mem>>)
      %slice3A_279 = vector.extract_strided_slice %get3A_23 {offsets = [13], sizes = [1], strides = [1]} : vector<16xi32> to vector<1xi32>
      %squeeze3A_280 = vector.extract %slice3A_279[0] : i32 from vector<1xi32>
      %shift_right_arithmetic3A_281 = arith.constant 20 : i32
      %shift_right_arithmetic3A_282 = arith.shrsi %squeeze3A_280, %shift_right_arithmetic3A_281 : i32
      %and3A_283 = arith.constant 16383 : i32
      %and3A_284 = arith.andi %squeeze3A_280, %and3A_283 : i32
      %mul3A_285 = arith.constant 8 : i32
      %mul3A_286 = arith.muli %and3A_284, %mul3A_285 : i32
      %mul3A_287 = arith.constant 16 : i32
      %mul3A_288 = arith.muli %scan3A_19, %mul3A_287 : i32
      %add3A_289 = arith.constant 13 : i32
      %add3A_290 = arith.addi %mul3A_288, %add3A_289 : i32
      %mul3A_291 = arith.constant 8 : i32
      %mul3A_292 = arith.muli %add3A_290, %mul3A_291 : i32
      %dma_start3A_293 = tpu.memref_slice %arg6[%mul3A_292] : memref<4096xf32, #tpu.memory_space<vmem>> -> memref<8xf32, #tpu.memory_space<vmem>>
      %dma_start3A_294 = tpu.memref_slice %arg3[%shift_right_arithmetic3A_282, %mul3A_286] : memref<1000x100000xf32, #tpu.memory_space<hbm>> -> memref<1x8xf32, #tpu.memory_space<hbm>>
      %dma_start3A_295 = tpu.memref_squeeze %dma_start3A_294 : memref<1x8xf32, #tpu.memory_space<hbm>> -> memref<8xf32, #tpu.memory_space<hbm>>
      %dma_start3A_296 = tpu.memref_slice %arg6[%mul3A_292] : memref<4096xf32, #tpu.memory_space<vmem>> -> memref<8xf32, #tpu.memory_space<vmem>>
      %dma_start3A_297 = tpu.memref_slice %arg3[%shift_right_arithmetic3A_282, %mul3A_286] : memref<1000x100000xf32, #tpu.memory_space<hbm>> -> memref<1x8xf32, #tpu.memory_space<hbm>>
      %dma_start3A_298 = tpu.memref_squeeze %dma_start3A_297 : memref<1x8xf32, #tpu.memory_space<hbm>> -> memref<8xf32, #tpu.memory_space<hbm>>
      tpu.enqueue_dma source(%dma_start3A_298 : memref<8xf32, #tpu.memory_space<hbm>>) target(%dma_start3A_296 : memref<8xf32, #tpu.memory_space<vmem>>) target_semaphore(%arg8 : memref<!tpu.dma_semaphore, #tpu.memory_space<semaphore_mem>>)
      %slice3A_299 = vector.extract_strided_slice %get3A_23 {offsets = [14], sizes = [1], strides = [1]} : vector<16xi32> to vector<1xi32>
      %squeeze3A_300 = vector.extract %slice3A_299[0] : i32 from vector<1xi32>
      %shift_right_arithmetic3A_301 = arith.constant 20 : i32
      %shift_right_arithmetic3A_302 = arith.shrsi %squeeze3A_300, %shift_right_arithmetic3A_301 : i32
      %and3A_303 = arith.constant 16383 : i32
      %and3A_304 = arith.andi %squeeze3A_300, %and3A_303 : i32
      %mul3A_305 = arith.constant 8 : i32
      %mul3A_306 = arith.muli %and3A_304, %mul3A_305 : i32
      %mul3A_307 = arith.constant 16 : i32
      %mul3A_308 = arith.muli %scan3A_19, %mul3A_307 : i32
      %add3A_309 = arith.constant 14 : i32
      %add3A_310 = arith.addi %mul3A_308, %add3A_309 : i32
      %mul3A_311 = arith.constant 8 : i32
      %mul3A_312 = arith.muli %add3A_310, %mul3A_311 : i32
      %dma_start3A_313 = tpu.memref_slice %arg6[%mul3A_312] : memref<4096xf32, #tpu.memory_space<vmem>> -> memref<8xf32, #tpu.memory_space<vmem>>
      %dma_start3A_314 = tpu.memref_slice %arg3[%shift_right_arithmetic3A_302, %mul3A_306] : memref<1000x100000xf32, #tpu.memory_space<hbm>> -> memref<1x8xf32, #tpu.memory_space<hbm>>
      %dma_start3A_315 = tpu.memref_squeeze %dma_start3A_314 : memref<1x8xf32, #tpu.memory_space<hbm>> -> memref<8xf32, #tpu.memory_space<hbm>>
      %dma_start3A_316 = tpu.memref_slice %arg6[%mul3A_312] : memref<4096xf32, #tpu.memory_space<vmem>> -> memref<8xf32, #tpu.memory_space<vmem>>
      %dma_start3A_317 = tpu.memref_slice %arg3[%shift_right_arithmetic3A_302, %mul3A_306] : memref<1000x100000xf32, #tpu.memory_space<hbm>> -> memref<1x8xf32, #tpu.memory_space<hbm>>
      %dma_start3A_318 = tpu.memref_squeeze %dma_start3A_317 : memref<1x8xf32, #tpu.memory_space<hbm>> -> memref<8xf32, #tpu.memory_space<hbm>>
      tpu.enqueue_dma source(%dma_start3A_318 : memref<8xf32, #tpu.memory_space<hbm>>) target(%dma_start3A_316 : memref<8xf32, #tpu.memory_space<vmem>>) target_semaphore(%arg8 : memref<!tpu.dma_semaphore, #tpu.memory_space<semaphore_mem>>)
      %slice3A_319 = vector.extract_strided_slice %get3A_23 {offsets = [15], sizes = [1], strides = [1]} : vector<16xi32> to vector<1xi32>
      %squeeze3A_320 = vector.extract %slice3A_319[0] : i32 from vector<1xi32>
      %shift_right_arithmetic3A_321 = arith.constant 20 : i32
      %shift_right_arithmetic3A_322 = arith.shrsi %squeeze3A_320, %shift_right_arithmetic3A_321 : i32
      %and3A_323 = arith.constant 16383 : i32
      %and3A_324 = arith.andi %squeeze3A_320, %and3A_323 : i32
      %mul3A_325 = arith.constant 8 : i32
      %mul3A_326 = arith.muli %and3A_324, %mul3A_325 : i32
      %mul3A_327 = arith.constant 16 : i32
      %mul3A_328 = arith.muli %scan3A_19, %mul3A_327 : i32
      %add3A_329 = arith.constant 15 : i32
      %add3A_330 = arith.addi %mul3A_328, %add3A_329 : i32
      %mul3A_331 = arith.constant 8 : i32
      %mul3A_332 = arith.muli %add3A_330, %mul3A_331 : i32
      %dma_start3A_333 = tpu.memref_slice %arg6[%mul3A_332] : memref<4096xf32, #tpu.memory_space<vmem>> -> memref<8xf32, #tpu.memory_space<vmem>>
      %dma_start3A_334 = tpu.memref_slice %arg3[%shift_right_arithmetic3A_322, %mul3A_326] : memref<1000x100000xf32, #tpu.memory_space<hbm>> -> memref<1x8xf32, #tpu.memory_space<hbm>>
      %dma_start3A_335 = tpu.memref_squeeze %dma_start3A_334 : memref<1x8xf32, #tpu.memory_space<hbm>> -> memref<8xf32, #tpu.memory_space<hbm>>
      %dma_start3A_336 = tpu.memref_slice %arg6[%mul3A_332] : memref<4096xf32, #tpu.memory_space<vmem>> -> memref<8xf32, #tpu.memory_space<vmem>>
      %dma_start3A_337 = tpu.memref_slice %arg3[%shift_right_arithmetic3A_322, %mul3A_326] : memref<1000x100000xf32, #tpu.memory_space<hbm>> -> memref<1x8xf32, #tpu.memory_space<hbm>>
      %dma_start3A_338 = tpu.memref_squeeze %dma_start3A_337 : memref<1x8xf32, #tpu.memory_space<hbm>> -> memref<8xf32, #tpu.memory_space<hbm>>
      tpu.enqueue_dma source(%dma_start3A_338 : memref<8xf32, #tpu.memory_space<hbm>>) target(%dma_start3A_336 : memref<8xf32, #tpu.memory_space<vmem>>) target_semaphore(%arg8 : memref<!tpu.dma_semaphore, #tpu.memory_space<semaphore_mem>>)
      %scan3A_339 = arith.constant 0 : i32
      scf.yield %scan3A_339 : i32
    }
    %scan3A_8 = arith.constant 32 : i32
    %dma_wait3A = arith.constant 0 : i32
    %dma_wait3A_9 = tpu.memref_slice %arg4[%dma_wait3A] : memref<16384xf32, #tpu.memory_space<hbm>> -> memref<4096xf32, #tpu.memory_space<hbm>>
    %dma_wait3A_10 = arith.constant 0 : i32
    %dma_wait3A_11 = tpu.memref_slice %arg4[%dma_wait3A_10] : memref<16384xf32, #tpu.memory_space<hbm>> -> memref<4096xf32, #tpu.memory_space<hbm>>
    tpu.wait_dma2 semaphore(%arg8 : memref<!tpu.dma_semaphore, #tpu.memory_space<semaphore_mem>>) src(%dma_wait3A_11 : memref<4096xf32, #tpu.memory_space<hbm>>) dst(%arg6 : memref<4096xf32, #tpu.memory_space<vmem>>)
    %scan3A_12 = arith.constant 0 : i32
    %scan3A_13 = arith.constant 0 : i32
    %scan3A_14 = arith.constant 32 : i32
    %scan3A_15 = arith.addi %scan3A_13, %scan3A_14 : i32
    %scan3A_16 = arith.constant 1 : i32
    %scan3A_17 = scf.for %scan3A_19 = %scan3A_13 to %scan3A_15 step %scan3A_16 iter_args(%scan3A_20 = %scan3A_12) -> (i32)  : i32 {
      %iota3A = tpu.iota {dimensions = array<i32: 0>} : vector<16xi32>
      %mul3A_21 = arith.constant 8 : i32
      %mul3A_22 = vector.broadcast %mul3A_21 : i32 to vector<16xi32>
      %mul3A_23 = arith.muli %iota3A, %mul3A_22 : vector<16xi32>
      %mul3A_24 = arith.constant 128 : i32
      %mul3A_25 = arith.muli %scan3A_19, %mul3A_24 : i32
      %add3A_26 = vector.broadcast %mul3A_25 : i32 to vector<16xi32>
      %add3A_27 = arith.addi %mul3A_23, %add3A_26 : vector<16xi32>
      %mul3A_28 = arith.constant 16 : i32
      %mul3A_29 = arith.muli %scan3A_19, %mul3A_28 : i32
      %get3A = arith.index_cast %mul3A_29 : i32 to index
      %get3A_30 = tpu.vector_load %arg5[%get3A] {strides = array<i32>} : memref<512xi32, #tpu.memory_space<vmem>>, vector<16xi32>,
      %shift_right_arithmetic3A = arith.constant 17 : i32
      %shift_right_arithmetic3A_31 = vector.broadcast %shift_right_arithmetic3A : i32 to vector<16xi32>
      %shift_right_arithmetic3A_32 = arith.shrsi %get3A_30, %shift_right_arithmetic3A_31 : vector<16xi32>
      %and3A = arith.constant 7 : i32
      %and3A_33 = vector.broadcast %and3A : i32 to vector<16xi32>
      %and3A_34 = arith.andi %shift_right_arithmetic3A_32, %and3A_33 : vector<16xi32>
      %add3A_35 = arith.addi %add3A_27, %and3A_34 : vector<16xi32>
      %gather3A = tpu.vector_load_idx %arg6[%add3A_35] : memref<4096xf32, #tpu.memory_space<vmem>>[vector<16xi32>], vector<16xf32>,
      %mul3A_36 = arith.constant 16 : i32
      %mul3A_37 = arith.muli %scan3A_19, %mul3A_36 : i32
      %swap3A = arith.index_cast %mul3A_37 : i32 to index
      %swap3A_38 = tpu.vector_load %arg7[%swap3A] {strides = array<i32>} : memref<512xf32, #tpu.memory_space<vmem>>, vector<16xf32>,
      tpu.vector_store %arg7[%swap3A], %gather3A {strides = array<i32>} : memref<512xf32, #tpu.memory_space<vmem>>, vector<16xf32>,
      %scan3A_39 = arith.constant 0 : i32
      scf.yield %scan3A_39 : i32
    }
    %scan3A_18 = arith.constant 32 : i32
    "tpu.region"() ({
      %run_scoped3A = tpu.sem_alloc : memref<!tpu.dma_semaphore, #tpu.memory_space<semaphore_mem>>
      %dma_start3A = tpu.memref_slice %arg4[%mul3A_2] : memref<16384xf32, #tpu.memory_space<hbm>> -> memref<512xf32, #tpu.memory_space<hbm>>
      %dma_start3A_19 = tpu.memref_slice %arg4[%mul3A_2] : memref<16384xf32, #tpu.memory_space<hbm>> -> memref<512xf32, #tpu.memory_space<hbm>>
      tpu.enqueue_dma source(%arg7 : memref<512xf32, #tpu.memory_space<vmem>>) target(%dma_start3A_19 : memref<512xf32, #tpu.memory_space<hbm>>) target_semaphore(%run_scoped3A : memref<!tpu.dma_semaphore, #tpu.memory_space<semaphore_mem>>)
      %dma_wait3A_20 = tpu.memref_slice %arg4[%mul3A_2] : memref<16384xf32, #tpu.memory_space<hbm>> -> memref<512xf32, #tpu.memory_space<hbm>>
      %dma_wait3A_21 = tpu.memref_slice %arg4[%mul3A_2] : memref<16384xf32, #tpu.memory_space<hbm>> -> memref<512xf32, #tpu.memory_space<hbm>>
      tpu.wait_dma2 semaphore(%run_scoped3A : memref<!tpu.dma_semaphore, #tpu.memory_space<semaphore_mem>>) src(%arg7 : memref<512xf32, #tpu.memory_space<vmem>>) dst(%dma_wait3A_21 : memref<512xf32, #tpu.memory_space<hbm>>)
      tpu.yield
    }) : () -> ()
    return
  }
}

</mosaic_0001>

<sc_bundles>
// kernel: kernel.3.cloned.1.call-start
scs
__scs_entry_jumppad:
0x0: {  	(pc) =	sbr.rel $0x88, $3  }
0x1: {  	(tag) =	ssettag $0x0;
	lr =	simm.s32 $0x1  }
0x2: {  	[smem:$0x3F9E] =	sst lr;
	_ =	strace $0xD0000000  }
0x3: {  	_ = 	snop  }
0x4: {  	_ = 	snop  }
0x5: {  	_ = 	snop  }
0x6: {  	_ = 	snop  }
0x7: {  	_ = 	snop  }
__scs_overlays_trampoline_lowered:
0x8: {  	[smem:$0x3FAD] =	sst s0  }
0x9: {  	[smem:$0x3FAE] =	sst s1  }
0xa: {  	[smem:$0x3FAF] =	sst s2  }
0xb: {  	[smem:$0x3FB0] =	sst s3  }
0xc: {  	[smem:$0x3FB1] =	sst s4  }
0xd: {  	[smem:$0x3FB2] =	sst s5  }
0xe: {  	[smem:$0x3FB3] =	sst s6  }
0xf: {  	[smem:$0x3FB4] =	sst s7  }
0x10: {  	[smem:$0x3FB5] =	sst s8  }
0x11: {  	[smem:$0x3FB6] =	sst s9;
	s0 =	simm.s32 @!p0 $0x0  }
0x12: {  	s1 =	sld [smem:$0x3F9C];
	s0 =	simm.s32 @p0 $0x1  }
0x13: {  	[smem:$0x3FB7] =	sst s0;
	s0 =	simm.s32 @!p1 $0x0  }
0x14: {  	s2 =	sld [smem:$0x3F9B];
	s0 =	simm.s32 @p1 $0x1  }
0x15: {  	[smem:$0x3FB8] =	sst s0;
	s0 =	simm.s32 @!p2 $0x0  }
0x16: {  	s3 =	sld [smem:$0x3FDB];
	s0 =	simm.s32 @p2 $0x1  }
0x17: {  	s4 =	simm.s32 $0x1BF5;
	[smem:$0x3FBA] =	sst s0  }
0x18: {  	s0 =	sld [smem:$0x3F9D];
	_ =	swait.ge [sflag:s4], $0x0  }
0x19: {  	s7 =	sld [smem:$0x3F9E]  }
0x1a: {  	s8 =	sadd.s32 $0xFFFFE003, lr  }
0x1b: {  	s9 =	sadd.s32 $0xFFFFFEF7, lr;
	s5 =	simm.s32 $0xFFFFFFFF;
	p2 =	slt.u32 s8, $0xFFFFF086  }
0x1c: {  	p1 =	slt.u32 s9, $0xF7A;
	s5 =	simm.s32 @!p2 $0x0  }
0x1d: {  	s5 =	simm.s32 @p1 $0x1;
	p0 =	seq.s32 s7, s2  }
0x1e: {  	s7 =	smul.u32 @!p0 $0xF7A, s2;
	p2 =	seq.s32 @!p0 s5, $0x0  }
0x1f: {  	s9 =	smul.u32 $0xF7A, s1;
	s8 =	simm.s32 @!p0 $0x1BF5;
	p2 =	por !p2, p0  }
0x20: {  	[sflag:s8] =	ssyncset.s32 @!p0 $0xFFFFF086;
	s6 =	sadd.s32 @!p0 s3, s7;
	s7 =	simm.s32 @!p0 $0x108  }
0x21: {  	s3 =	sadd.s32 s3, s9;
	s6 =	sadd.s32 @!p0 $0x88, s6;
	s7 =	simm.s32 @p2 $0x1082  }
0x22: {  	[simem:s7], [sflag:s8] =	dma.local @!p0 [hbm:s6], $0xF7A  }
0x23: {  	s9 =	sor.u32 $0xD0000000, s2;
	s6 =	simm.s32 $0x108;
	_ =	swait.ge @!p0 [sflag:s8], $0x0  }
0x24: {  	s3 =	sadd.s32 $0x88, s3;
	s6 =	simm.s32 @!p1 $0x1082;
	[sflag:s4] =	ssyncset.s32 $0xFFFFF086  }
0x25: {  	[simem:s6], [sflag:s4] =	dma.local [hbm:s3], $0xF7A  }
0x26: {  	[smem:$0x3F9E] =	sst s1;
	(tag) =	ssettag s2;
	_ =	strace s9  }
0x27: {  	s1 =	sld [smem:$0x3FAE]  }
0x28: {  	s2 =	sld [smem:$0x3FAF]  }
0x29: {  	s4 =	sld [smem:$0x3FB1]  }
0x2a: {  	p0 =	seq.s32 s5, $0x0;
	s5 =	sld [smem:$0x3FB2]  }
0x2b: {  	s6 =	sld [smem:$0x3FB3]  }
0x2c: {  	s7 =	sld [smem:$0x3FB4]  }
0x2d: {  	s3 =	simm.s32 $0x108;
	s8 =	sld [smem:$0x3FB5]  }
0x2e: {  	s3 =	simm.s32 @!p0 $0x1082;
	s9 =	sld [smem:$0x3FB6]  }
0x2f: {  	lr =	sadd.s32 s0, s3;
	s0 =	sld [smem:$0x3FAD]  }
0x30: {  	s3 =	sld [smem:$0x3FB0]  }
0x31: {  	[smem:$0x3FB9] =	sst s10  }
0x32: {  	s10 =	sld [smem:$0x3FB7];
	_ =	sdelay $0x3  }
0x33: {  	p0 =	seq.s32 s10, $0x1;
	s10 =	sld [smem:$0x3FB9];
	_ =	sdelay $0x3  }
0x34: {  	[smem:$0x3FB9] =	sst s10  }
0x35: {  	s10 =	sld [smem:$0x3FB8];
	_ =	sdelay $0x3  }
0x36: {  	p1 =	seq.s32 s10, $0x1;
	s10 =	sld [smem:$0x3FB9];
	_ =	sdelay $0x3  }
0x37: {  	[smem:$0x3FB9] =	sst s10  }
0x38: {  	s10 =	sld [smem:$0x3FBA]  }
0x39: {  	_ = 	snop;
	(pc) =	sbr.ind lr, $3  }
0x3a: {  	_ = 	snop  }
0x3b: {  	_ = 	snop  }
0x3c: {  	p2 =	seq.s32 s10, $0x1;
	s10 =	sld [smem:$0x3FB9]  }
0x3d: {  	_ =	shalt  }
0x3e: {  	_ =	shalt  }
0x3f: {  	_ =	shalt  }
0x40: {  	_ =	shalt  }
0x41: {  	_ =	shalt  }
0x42: {  	_ =	shalt  }
0x43: {  	_ =	shalt  }
0x44: {  	_ =	shalt  }
0x45: {  	_ =	shalt  }
0x46: {  	_ =	shalt  }
0x47: {  	_ =	shalt  }
0x48: {  	_ =	shalt  }
0x49: {  	_ =	shalt  }
0x4a: {  	_ =	shalt  }
0x4b: {  	_ =	shalt  }
0x4c: {  	_ =	shalt  }
0x4d: {  	_ =	shalt  }
0x4e: {  	_ =	shalt  }
0x4f: {  	_ =	shalt  }
0x50: {  	_ =	shalt  }
0x51: {  	_ =	shalt  }
0x52: {  	_ =	shalt  }
0x53: {  	_ =	shalt  }
0x54: {  	_ =	shalt  }
0x55: {  	_ =	shalt  }
0x56: {  	_ =	shalt  }
0x57: {  	_ =	shalt  }
0x58: {  	_ =	shalt  }
0x59: {  	_ =	shalt  }
0x5a: {  	_ =	shalt  }
0x5b: {  	_ =	shalt  }
0x5c: {  	_ =	shalt  }
0x5d: {  	_ =	shalt  }
0x5e: {  	_ =	shalt  }
0x5f: {  	_ =	shalt  }
0x60: {  	_ =	shalt  }
0x61: {  	_ =	shalt  }
0x62: {  	_ =	shalt  }
0x63: {  	_ =	shalt  }
0x64: {  	_ =	shalt  }
0x65: {  	_ =	shalt  }
0x66: {  	_ =	shalt  }
0x67: {  	_ =	shalt  }
0x68: {  	_ =	shalt  }
0x69: {  	_ =	shalt  }
0x6a: {  	_ =	shalt  }
0x6b: {  	_ =	shalt  }
0x6c: {  	_ =	shalt  }
0x6d: {  	_ =	shalt  }
0x6e: {  	_ =	shalt  }
0x6f: {  	_ =	shalt  }
0x70: {  	_ =	shalt  }
0x71: {  	_ =	shalt  }
0x72: {  	_ =	shalt  }
0x73: {  	_ =	shalt  }
0x74: {  	_ =	shalt  }
0x75: {  	_ =	shalt  }
0x76: {  	_ =	shalt  }
0x77: {  	_ =	shalt  }
0x78: {  	_ =	shalt  }
0x79: {  	_ =	shalt  }
0x7a: {  	_ =	shalt  }
0x7b: {  	_ =	shalt  }
0x7c: {  	_ =	shalt  }
0x7d: {  	_ =	shalt  }
0x7e: {  	_ =	shalt  }
0x7f: {  	_ =	shalt  }
0x80: {  	_ =	shalt  }
0x81: {  	_ =	shalt  }
0x82: {  	_ =	shalt  }
0x83: {  	_ =	shalt  }
0x84: {  	_ =	shalt  }
0x85: {  	_ =	shalt  }
0x86: {  	_ =	shalt  }
0x87: {  	_ =	shalt  }
.Lfunc_end0:
.L_simem_size_0:
called_computation_lowered:
.L_overlay_start_0:
0x88: {  	s2 =	sld [smem:$0x3FD9]  }
0x89: {  	s3 =	sld [smem:$0x3FFE];
	_ =	sdelay $0x1  }
0x8a: {  	s1 =	srdreg.scid  }
0x8b: {  	s0 =	sand.u32 $0x1, s1  }
0x8c: {  	s17 =	sshll.u32 s0, $0xA;
	s2 =	sadd.s32 s3, s2  }
0x8d: {  	s2 =	sadd.s32 s2, s17  }
0x8e: {  	[smem:$0x3FC5] =	sst s2  }
0x8f: {  	_ = 	snop  }
0x90: {  	s2 =	sld [smem:$0x3FC7]  }
0x91: {  	s18 =	sld [smem:$0x3FD0];
	(tm) =	ssettm $0x1  }
0x92: {  	s4 =	sld [smem:$0x3FFB];
	_ =	sdelay $0x3  }
0x93: {  	_ =	strace s4  }
0x94: {  	s4 =	sld [smem:$0x3FFC];
	_ =	sdelay $0x3  }
0x95: {  	_ =	strace s4  }
0x96: {  	s4 =	sld [smem:$0x3FFD];
	_ =	sdelay $0x3  }
0x97: {  	_ =	strace s4  }
0x98: {  	_ =	strace $0x8FFFFFFF  }
0x99: {  	s19 =	sld [smem:$0x3FDB];
	_ =	sdelay $0x1  }
0x9a: {  	s5 =	simm.s32 $_scs_section_size  }
0x9b: {  	s6 =	simm.s32 $_size__tile_overlayer_lowered;
	s7 =	simm.s32 $_tile_overlayer_lowered  }
0x9c: {  	s22 =	simm.s32 $0x1BFF;
	s21 =	sshll.u32 s7, $0x1;
	s4 =	sadd.s32 s5, s19  }
0x9d: {  	s8 =	simm.s32 $0x0;
	s20 =	sshll.u32 s6, $0x1;
	s6 =	sadd.s32 s21, s4  }
0x9e: {  	[timem:s8], [sflag:s22] =	dma.local [hbm:s6], s20  }
0x9f: {  	_ =	swait.ge [sflag:s22], s20  }
0xa0: {  	s5 =	ssub.s32 $0x0, s20;
	[sflag:s22] =	ssyncset.done $0x0  }
0xa1: {  	[sflag:s22] =	ssyncadd.s32 s5;
	_ =	sdelay $0x1  }
0xa2: {  	s23 =	simm.s32 $0x1B8B  }
0xa3: {  	_ =	swait.ge [sflag:s23], $0x1  }
0xa4: {  	[sflag:s23] =	ssyncset.done $0x0  }
0xa5: {  	s25 =	simm.s32 $0x1B8E;
	s24 =	sld [smem:$0x3FFE];
	[sflag:s23] =	ssyncadd.s32 $0xFFFFFFFF  }
0xa6: {  	s26 =	simm.s32 $execute0_lowered;
	[smem:$0x3FD2] =	sst s25  }
0xa7: {  	s6 =	sshll.u32 s26, $0x1;
	_ =	strace $0x80000046;
	[dreg:$0x1] =	wrdreg $0xFFFFFFFF  }
0xa8: {  	s28 =	simm.s32 $_size_execute0_lowered;
	s4 =	sadd.s32 s4, s6;
	[dreg:$0x0] =	wrdreg $0x0  }
0xa9: {  	s6 =	sshll.u32 s28, $0x1;
	[dreg:$0x2] =	wrdreg s4  }
0xaa: {  	[dreg:$0x3] =	wrdreg s6  }
0xab: {  	[dreg:$0x4] =	wrdreg $0xC0  }
0xac: {  	_ =	task [dreg:s8], $0x5FFFF  }
0xad: {  	[dreg:$0x1] =	wrdreg $0xFFFFFFFF  }
0xae: {  	[dreg:$0x0] =	wrdreg $0x60  }
0xaf: {  	[dreg:$0x2] =	wrdreg s24  }
0xb0: {  	[dreg:$0x3] =	wrdreg s2  }
0xb1: {  	[dreg:$0x4] =	wrdreg s18  }
0xb2: {  	[dreg:$0x5] =	wrdreg $0x9  }
0xb3: {  	_ =	task.clear_ibuf [dreg:s8], $0x6FFFF;
	_ =	strace $0x90000046  }
0xb4: {  	s29 =	simm.s32 $0x9;
	_ =	strace $0x80000048  }
0xb5: {  	_ =	swait.ge [sflag:s29], $0x1  }
0xb6: {  	[sflag:s29] =	ssyncadd.s32 $0xFFFFFFFF  }
0xb7: {  	_ =	strace $0x90000048  }
0xb8: {  	_ =	sfence  }
0xb9: {  	s30 =	sld [smem:$0x0];
	_ =	sdelay $0x2  }
0xba: {  	s31 =	sshll.u32 s1, $0xD;
	s1 =	sshrl.u32 s1, $0x2  }
0xbb: {  	s3 =	sand.u32 $0x4000, s31;
	s1 =	sadd.s32 s1, s30  }
0xbc: {  	s0 =	sor.u32 s3, s0;
	s1 =	sshll.u32 s1, $0x11  }
0xbd: {  	s0 =	sor.u32 s1, s0  }
0xbe: {  	s0 =	sadd.s32 $0x8F2B, s0  }
0xbf: {  	[sflag:s0] =	ssyncadd.remote.s32 $0x1  }
0xc0: {  	_ =	sfence.sel $0xFFFF  }
0xc1: {  	[dreg:$0x0] =	wrdreg $0xFFFFFFFF;
	(pc) =	sbr.abs _section_cstart, $3  }
0xc2: {  	[dreg:$0x1] =	wrdreg $0xFFFFFFFF  }
0xc3: {  	_ =	task.clear_ibuf [dreg:s8], $0x2FFFF;
	_ =	strace $0x9FFFFFFF  }
0xc4: {  	(tm) =	ssettm $0x7FFFFFFF  }
0xc5: {  	_ =	shalt  }
tec
execute0_lowered:
.L_overlay_start_1:
0x0: {  	(tag) =	ssettag $0x1  }
0x1: {  	s4 =	rddreg [dreg:$0x0]  }
0x2: {  	s2 =	rddreg [dreg:$0x1]  }
0x3: {  	s5 =	rddreg [dreg:$0x2];
	s3 =	srdreg.scid  }
0x4: {  	s0 =	rddreg [dreg:$0x3];
	s1 =	stileid.u32;
	s9 =	simm.s32 $0x200  }
0x5: {  	s10 =	simm.s32 $0x1200;
	s11 =	simm.s32 $0x0;
	s6 =	sand.u32 $0x1, s3  }
0x6: {  	s3 =	simm.s32 $0x0;
	s7 =	sshll.u32 s1, $0x7;
	s8 =	sshll.u32 s6, $0x6  }
0x7: {  	[smem:$0x7FF] =	sst s3;
	s6 =	ssub.s32 $0x2, s6;
	s7 =	sor.u32 s8, s7  }
0x8: {  	_ =	strace $0x80000047;
	s31 =	sshrl.u32 s6, $0x1;
	s8 =	simm.s32 $0x1  }
0x9: {  	v0 =	vlaneseq.u32;
	s4 =	sadd.s32 s7, s4;
	s6 =	ssub.s32 s6, s31;
	s5 =	sadd.s32 s5, s7  }
0xa: {  	v0 =	vmul.u32 $0x8, v0;
	s7 =	simm.s32 $0x2;
	s4 =	sadd.s32 $0x400, s4;
	s6 =	smax.u32 s6, $0x1  }
.LBB2_1:
0xb: {  	[tilespmem:s3], [sflag:$0x2] =	stream.linear.gather [hbm4b:s4+s3], $0x200, $0x38;
	[tilespmem:$0x1400] =	vst v63  }
0xc: {  	_ =	swait.ge [sflag:s7], $0x200  }
0xd: {  	[sflag:s7] =	ssyncset.done $0x0  }
0xe: {  	s12 =	simm.s32 $0x0;
	s13 =	simm.s32 $0x0;
	[sflag:s7] =	ssyncadd.s32 $0xFFFFFE00  }
.LBB2_2:
0xf: {  	v1 =	vld [tilespmem:s12+$0x0];
	_ =	sdelay $0x4  }
0x10: {  	(v2sf) =	vpush v1, $0x0;
	_ =	sdelay $0x3  }
0x11: {  	(v2sf) =	vpush v1, $0x1;
	_ =	sdelay $0xa  }
0x12: {  	s14 =	spop (v2sf)  }
0x13: {  	s15 =	sshra.s32 s14, $0x14  }
0x14: {  	(v2sf) =	vpush v1, $0x2;
	s16 =	sshrl.u32 s15, $0x3  }
0x15: {  	s17 =	sshll.u32 s14, $0x6;
	s14 =	sshll.u32 s14, $0x3;
	s16 =	smul.u32 $0xC3800, s16  }
0x16: {  	s20 =	spop (v2sf);
	s17 =	sand.u32 $0xFFC00, s17;
	s15 =	sshll.u32 s15, $0x7  }
0x17: {  	s14 =	sand.u32 $0x78, s14;
	s15 =	sand.u32 $0x380, s15;
	s16 =	sadd.s32 s17, s16  }
0x18: {  	s21 =	sshra.s32 s20, $0x14;
	s18 =	sshll.u32 s20, $0x6;
	s15 =	sor.u32 s15, s16  }
0x19: {  	s22 =	sshrl.u32 s21, $0x3;
	s18 =	sand.u32 $0xFFC00, s18;
	s15 =	sor.u32 s14, s15  }
0x1a: {  	(v2sf) =	vpush v1, $0x3;
	s17 =	smul.u32 $0xC3800, s22;
	s14 =	sshra.s32 s13, $0x2;
	s15 =	sshrl.u32 s15, $0x3  }
0x1b: {  	s16 =	sshll.u32 s21, $0x7;
	s19 =	sadd.s32 $0x200, s14;
	s15 =	sadd.s32 s2, s15  }
0x1c: {  	[tilespmem:s19], [sflag:$0x1] =	stream.linear.gather [hbm4b:s15+s3], $0x8, $0x38;
	[tilespmem:$0x1400] =	vst v63  }
0x1d: {  	s17 =	sadd.s32 s18, s17;
	s16 =	sand.u32 $0x380, s16;
	s15 =	sshll.u32 s20, $0x3  }
0x1e: {  	s16 =	sor.u32 s16, s17;
	s15 =	sand.u32 $0x78, s15  }
0x1f: {  	s15 =	sor.u32 s15, s16  }
0x20: {  	s15 =	sshrl.u32 s15, $0x3  }
0x21: {  	s23 =	sadd.s32 $0x208, s14;
	s15 =	sadd.s32 s2, s15  }
0x22: {  	[tilespmem:s23], [sflag:$0x1] =	stream.linear.gather [hbm4b:s15+s3], $0x8, $0x38;
	[tilespmem:$0x1400] =	vst v63  }
0x23: {  	s24 =	spop (v2sf)  }
0x24: {  	s25 =	sshra.s32 s24, $0x14  }
0x25: {  	(v2sf) =	vpush v1, $0x4;
	s26 =	sshrl.u32 s25, $0x3  }
0x26: {  	s28 =	sshll.u32 s24, $0x6;
	s17 =	smul.u32 $0xC3800, s26  }
0x27: {  	s29 =	sadd.s32 $0x210, s14;
	s18 =	sand.u32 $0xFFC00, s28;
	s16 =	sshll.u32 s25, $0x7  }
0x28: {  	s15 =	sshll.u32 s24, $0x3;
	s16 =	sand.u32 $0x380, s16;
	s17 =	sadd.s32 s18, s17  }
0x29: {  	s30 =	spop (v2sf);
	s15 =	sand.u32 $0x78, s15;
	s16 =	sor.u32 s16, s17  }
0x2a: {  	s31 =	sshra.s32 s30, $0x14;
	s20 =	sshll.u32 s30, $0x6;
	s15 =	sor.u32 s15, s16  }
0x2b: {  	(v2sf) =	vpush v1, $0x5;
	s19 =	sshrl.u32 s31, $0x3;
	s18 =	sand.u32 $0xFFC00, s20;
	s15 =	sshrl.u32 s15, $0x3  }
0x2c: {  	s17 =	smul.u32 $0xC3800, s19;
	s16 =	sshll.u32 s31, $0x7;
	s15 =	sadd.s32 s2, s15  }
0x2d: {  	[tilespmem:s29], [sflag:$0x1] =	stream.linear.gather [hbm4b:s15+s3], $0x8, $0x38;
	[tilespmem:$0x1400] =	vst v63  }
0x2e: {  	s17 =	sadd.s32 s18, s17;
	s16 =	sand.u32 $0x380, s16;
	s15 =	sshll.u32 s30, $0x3  }
0x2f: {  	s16 =	sor.u32 s16, s17;
	s15 =	sand.u32 $0x78, s15  }
0x30: {  	s15 =	sor.u32 s15, s16  }
0x31: {  	s15 =	sshrl.u32 s15, $0x3  }
0x32: {  	s21 =	sadd.s32 $0x218, s14;
	s15 =	sadd.s32 s2, s15  }
0x33: {  	[tilespmem:s21], [sflag:$0x1] =	stream.linear.gather [hbm4b:s15+s3], $0x8, $0x38;
	[tilespmem:$0x1400] =	vst v63  }
0x34: {  	s22 =	spop (v2sf)  }
0x35: {  	s23 =	sshra.s32 s22, $0x14  }
0x36: {  	(v2sf) =	vpush v1, $0x6;
	s24 =	sshrl.u32 s23, $0x3  }
0x37: {  	s25 =	sshll.u32 s22, $0x6;
	s17 =	smul.u32 $0xC3800, s24  }
0x38: {  	s26 =	sadd.s32 $0x220, s14;
	s18 =	sand.u32 $0xFFC00, s25;
	s16 =	sshll.u32 s23, $0x7  }
0x39: {  	s15 =	sshll.u32 s22, $0x3;
	s16 =	sand.u32 $0x380, s16;
	s17 =	sadd.s32 s18, s17  }
0x3a: {  	s28 =	spop (v2sf);
	s15 =	sand.u32 $0x78, s15;
	s16 =	sor.u32 s16, s17  }
0x3b: {  	s29 =	sshra.s32 s28, $0x14;
	s31 =	sshll.u32 s28, $0x6;
	s15 =	sor.u32 s15, s16  }
0x3c: {  	(v2sf) =	vpush v1, $0x7;
	s30 =	sshrl.u32 s29, $0x3;
	s18 =	sand.u32 $0xFFC00, s31;
	s15 =	sshrl.u32 s15, $0x3  }
0x3d: {  	s17 =	smul.u32 $0xC3800, s30;
	s16 =	sshll.u32 s29, $0x7;
	s15 =	sadd.s32 s2, s15  }
0x3e: {  	[tilespmem:s26], [sflag:$0x1] =	stream.linear.gather [hbm4b:s15+s3], $0x8, $0x38;
	[tilespmem:$0x1400] =	vst v63  }
0x3f: {  	s17 =	sadd.s32 s18, s17;
	s16 =	sand.u32 $0x380, s16;
	s15 =	sshll.u32 s28, $0x3  }
0x40: {  	s16 =	sor.u32 s16, s17;
	s15 =	sand.u32 $0x78, s15  }
0x41: {  	s15 =	sor.u32 s15, s16  }
0x42: {  	s15 =	sshrl.u32 s15, $0x3  }
0x43: {  	s18 =	sadd.s32 $0x228, s14;
	s15 =	sadd.s32 s2, s15  }
0x44: {  	[tilespmem:s18], [sflag:$0x1] =	stream.linear.gather [hbm4b:s15+s3], $0x8, $0x38;
	[tilespmem:$0x1400] =	vst v63  }
0x45: {  	s19 =	spop (v2sf)  }
0x46: {  	s20 =	sshra.s32 s19, $0x14  }
0x47: {  	(v2sf) =	vpush v1, $0x8;
	s21 =	sshrl.u32 s20, $0x3  }
0x48: {  	s22 =	sshll.u32 s19, $0x6;
	s17 =	smul.u32 $0xC3800, s21  }
0x49: {  	s23 =	sadd.s32 $0x230, s14;
	s18 =	sand.u32 $0xFFC00, s22;
	s16 =	sshll.u32 s20, $0x7  }
0x4a: {  	s15 =	sshll.u32 s19, $0x3;
	s16 =	sand.u32 $0x380, s16;
	s17 =	sadd.s32 s18, s17  }
0x4b: {  	s24 =	spop (v2sf);
	s15 =	sand.u32 $0x78, s15;
	s16 =	sor.u32 s16, s17  }
0x4c: {  	s25 =	sshra.s32 s24, $0x14;
	s28 =	sshll.u32 s24, $0x6;
	s15 =	sor.u32 s15, s16  }
0x4d: {  	(v2sf) =	vpush v1, $0x9;
	s26 =	sshrl.u32 s25, $0x3;
	s18 =	sand.u32 $0xFFC00, s28;
	s15 =	sshrl.u32 s15, $0x3  }
0x4e: {  	s17 =	smul.u32 $0xC3800, s26;
	s16 =	sshll.u32 s25, $0x7;
	s15 =	sadd.s32 s2, s15  }
0x4f: {  	[tilespmem:s23], [sflag:$0x1] =	stream.linear.gather [hbm4b:s15+s3], $0x8, $0x38;
	[tilespmem:$0x1400] =	vst v63  }
0x50: {  	s17 =	sadd.s32 s18, s17;
	s16 =	sand.u32 $0x380, s16;
	s15 =	sshll.u32 s24, $0x3  }
0x51: {  	s16 =	sor.u32 s16, s17;
	s15 =	sand.u32 $0x78, s15  }
0x52: {  	s15 =	sor.u32 s15, s16  }
0x53: {  	s15 =	sshrl.u32 s15, $0x3  }
0x54: {  	s29 =	sadd.s32 $0x238, s14;
	s15 =	sadd.s32 s2, s15  }
0x55: {  	[tilespmem:s29], [sflag:$0x1] =	stream.linear.gather [hbm4b:s15+s3], $0x8, $0x38;
	[tilespmem:$0x1400] =	vst v63  }
0x56: {  	s30 =	spop (v2sf)  }
0x57: {  	s31 =	sshra.s32 s30, $0x14  }
0x58: {  	(v2sf) =	vpush v1, $0xA;
	s19 =	sshrl.u32 s31, $0x3  }
0x59: {  	s20 =	sshll.u32 s30, $0x6;
	s17 =	smul.u32 $0xC3800, s19  }
0x5a: {  	s21 =	sadd.s32 $0x240, s14;
	s18 =	sand.u32 $0xFFC00, s20;
	s16 =	sshll.u32 s31, $0x7  }
0x5b: {  	s15 =	sshll.u32 s30, $0x3;
	s16 =	sand.u32 $0x380, s16;
	s17 =	sadd.s32 s18, s17  }
0x5c: {  	s22 =	spop (v2sf);
	s15 =	sand.u32 $0x78, s15;
	s16 =	sor.u32 s16, s17  }
0x5d: {  	s23 =	sshra.s32 s22, $0x14;
	s25 =	sshll.u32 s22, $0x6;
	s15 =	sor.u32 s15, s16  }
0x5e: {  	(v2sf) =	vpush v1, $0xB;
	s24 =	sshrl.u32 s23, $0x3;
	s18 =	sand.u32 $0xFFC00, s25;
	s15 =	sshrl.u32 s15, $0x3  }
0x5f: {  	s17 =	smul.u32 $0xC3800, s24;
	s16 =	sshll.u32 s23, $0x7;
	s15 =	sadd.s32 s2, s15  }
0x60: {  	[tilespmem:s21], [sflag:$0x1] =	stream.linear.gather [hbm4b:s15+s3], $0x8, $0x38;
	[tilespmem:$0x1400] =	vst v63  }
0x61: {  	s17 =	sadd.s32 s18, s17;
	s16 =	sand.u32 $0x380, s16;
	s15 =	sshll.u32 s22, $0x3  }
0x62: {  	s16 =	sor.u32 s16, s17;
	s15 =	sand.u32 $0x78, s15  }
0x63: {  	s15 =	sor.u32 s15, s16  }
0x64: {  	s15 =	sshrl.u32 s15, $0x3  }
0x65: {  	s26 =	sadd.s32 $0x248, s14;
	s15 =	sadd.s32 s2, s15  }
0x66: {  	[tilespmem:s26], [sflag:$0x1] =	stream.linear.gather [hbm4b:s15+s3], $0x8, $0x38;
	[tilespmem:$0x1400] =	vst v63  }
0x67: {  	s28 =	spop (v2sf)  }
0x68: {  	(v2sf) =	vpush v1, $0xC;
	s29 =	sshra.s32 s28, $0x14  }
0x69: {  	s30 =	sshrl.u32 s29, $0x3  }
0x6a: {  	s31 =	sshll.u32 s28, $0x6;
	s17 =	smul.u32 $0xC3800, s30  }
0x6b: {  	s18 =	sand.u32 $0xFFC00, s31;
	s16 =	sshll.u32 s29, $0x7  }
0x6c: {  	s15 =	sshll.u32 s28, $0x3;
	s16 =	sand.u32 $0x380, s16;
	s17 =	sadd.s32 s18, s17  }
0x6d: {  	s19 =	spop (v2sf);
	s15 =	sand.u32 $0x78, s15;
	s16 =	sor.u32 s16, s17  }
0x6e: {  	s20 =	sshra.s32 s19, $0x14;
	s15 =	sor.u32 s15, s16  }
0x6f: {  	(v2sf) =	vpush v1, $0xD;
	s22 =	sshll.u32 s19, $0x6;
	s21 =	sshrl.u32 s20, $0x3;
	s15 =	sshrl.u32 s15, $0x3  }
0x70: {  	s18 =	sadd.s32 $0x250, s14;
	s17 =	smul.u32 $0xC3800, s21;
	s15 =	sadd.s32 s2, s15  }
0x71: {  	[tilespmem:s18], [sflag:$0x1] =	stream.linear.gather [hbm4b:s15+s3], $0x8, $0x38;
	[tilespmem:$0x1400] =	vst v63  }
0x72: {  	s16 =	sshll.u32 s20, $0x7;
	s18 =	sand.u32 $0xFFC00, s22  }
0x73: {  	s16 =	sand.u32 $0x380, s16;
	s15 =	sshll.u32 s19, $0x3;
	s17 =	sadd.s32 s18, s17  }
0x74: {  	s15 =	sand.u32 $0x78, s15;
	s16 =	sor.u32 s16, s17  }
0x75: {  	s15 =	sor.u32 s15, s16  }
0x76: {  	s15 =	sshrl.u32 s15, $0x3  }
0x77: {  	s23 =	sadd.s32 $0x258, s14;
	s15 =	sadd.s32 s2, s15;
	s24 =	spop (v2sf)  }
0x78: {  	(v2sf) =	vpush v1, $0xE;
	[tilespmem:s23], [sflag:$0x1] =	stream.linear.gather [hbm4b:s15+s3], $0x8, $0x38;
	[tilespmem:$0x1400] =	vst v63  }
0x79: {  	s25 =	sshra.s32 s24, $0x14  }
0x7a: {  	s26 =	sshrl.u32 s25, $0x3  }
0x7b: {  	s28 =	sshll.u32 s24, $0x6;
	s17 =	smul.u32 $0xC3800, s26  }
0x7c: {  	s29 =	sadd.s32 $0x260, s14;
	s18 =	sand.u32 $0xFFC00, s28;
	s16 =	sshll.u32 s25, $0x7  }
0x7d: {  	s15 =	sshll.u32 s24, $0x3;
	s16 =	sand.u32 $0x380, s16;
	s17 =	sadd.s32 s18, s17  }
0x7e: {  	s30 =	spop (v2sf);
	s15 =	sand.u32 $0x78, s15;
	s16 =	sor.u32 s16, s17  }
0x7f: {  	(v2sf) =	vpush v1, $0xF;
	s31 =	sshra.s32 s30, $0x14;
	s20 =	sshll.u32 s30, $0x6;
	s15 =	sor.u32 s15, s16  }
0x80: {  	s19 =	sshrl.u32 s31, $0x3;
	s18 =	sand.u32 $0xFFC00, s20;
	s15 =	sshrl.u32 s15, $0x3  }
0x81: {  	s17 =	smul.u32 $0xC3800, s19;
	s16 =	sshll.u32 s31, $0x7;
	s15 =	sadd.s32 s2, s15  }
0x82: {  	[tilespmem:s29], [sflag:$0x1] =	stream.linear.gather [hbm4b:s15+s3], $0x8, $0x38;
	[tilespmem:$0x1400] =	vst v63  }
0x83: {  	s17 =	sadd.s32 s18, s17;
	s16 =	sand.u32 $0x380, s16;
	s15 =	sshll.u32 s30, $0x3  }
0x84: {  	s16 =	sor.u32 s16, s17;
	s15 =	sand.u32 $0x78, s15  }
0x85: {  	s15 =	sor.u32 s15, s16  }
0x86: {  	s15 =	sshrl.u32 s15, $0x3  }
0x87: {  	s22 =	sadd.s32 $0x268, s14;
	s15 =	sadd.s32 s2, s15;
	s21 =	spop (v2sf)  }
0x88: {  	[tilespmem:s22], [sflag:$0x1] =	stream.linear.gather [hbm4b:s15+s3], $0x8, $0x38;
	[tilespmem:$0x1400] =	vst v63  }
0x89: {  	s23 =	sshra.s32 s21, $0x14  }
0x8a: {  	s24 =	sshrl.u32 s23, $0x3  }
0x8b: {  	p0 =	sne.s32 s13, $0x3E00;
	s25 =	sshll.u32 s21, $0x6;
	s17 =	smul.u32 $0xC3800, s24  }
0x8c: {  	s26 =	sadd.s32 $0x270, s14;
	s18 =	sand.u32 $0xFFC00, s25;
	s15 =	sshll.u32 s23, $0x7  }
0x8d: {  	s16 =	sshll.u32 s21, $0x3;
	s15 =	sand.u32 $0x380, s15;
	s17 =	sadd.s32 s18, s17  }
0x8e: {  	s28 =	spop (v2sf);
	s16 =	sand.u32 $0x78, s16;
	s15 =	sor.u32 s15, s17  }
0x8f: {  	s29 =	sshra.s32 s28, $0x14;
	s31 =	sshll.u32 s28, $0x6;
	s15 =	sor.u32 s16, s15  }
0x90: {  	s30 =	sshrl.u32 s29, $0x3;
	s18 =	sand.u32 $0xFFC00, s31;
	s15 =	sshrl.u32 s15, $0x3  }
0x91: {  	s17 =	smul.u32 $0xC3800, s30;
	s16 =	sshll.u32 s29, $0x7;
	s15 =	sadd.s32 s2, s15  }
0x92: {  	[tilespmem:s26], [sflag:$0x1] =	stream.linear.gather [hbm4b:s15+s3], $0x8, $0x38;
	[tilespmem:$0x1400] =	vst v63  }
0x93: {  	s17 =	sadd.s32 s18, s17;
	s16 =	sand.u32 $0x380, s16;
	s15 =	sshll.u32 s28, $0x3  }
.Ltmp0:
0x94: {  	s16 =	sor.u32 s16, s17;
	s15 =	sand.u32 $0x78, s15;
	(pc) =	sbr.rel @p0 .LBB2_2-.Ltmp0, $4  }
0x95: {  	s15 =	sor.u32 s15, s16  }
0x96: {  	s12 =	sadd.s32 $0x10, s12;
	s15 =	sshrl.u32 s15, $0x3  }
0x97: {  	s13 =	sadd.s32 $0x200, s13;
	s14 =	sadd.s32 $0x278, s14;
	s15 =	sadd.s32 s2, s15  }
0x98: {  	[tilespmem:s14], [sflag:$0x1] =	stream.linear.gather [hbm4b:s15+s3], $0x8, $0x38;
	[tilespmem:$0x1400] =	vst v63  }
0x99: {  	_ =	swait.ge [sflag:s8], $0x1000  }
0x9a: {  	[sflag:s8] =	ssyncset.done $0x0  }
0x9b: {  	s12 =	simm.s32 $0x0;
	[sflag:s8] =	ssyncadd.s32 $0xFFFFF000  }
0x9c: {  	v1 =	vld [tilespmem:s12+$0x0];
	_ =	sdelay $0x1  }
0x9d: {  	v2 =	vmov s12  }
0x9e: {  	v2 =	vshrl.u32 v2, $0x7  }
0x9f: {  	v2 =	vshll.u32 v2, $0x7  }
0xa0: {  	v2 =	vbroadcast v2, $0x0;
	v1 =	vshrl.u32 v1, $0x11  }
0xa1: {  	v1 =	vand.u32 $0x7, v1  }
0xa2: {  	v1 =	vor.u32 v1, v2  }
0xa3: {  	v1 =	vor.u32 v0, v1;
	_ =	sdelay $0x4  }
0xa4: {  	v1 =	vld.idx.msk [tilespmem:v1+s9+$0x0], $0xffff;
	_ =	sdelay $0x3  }
0xa5: {  	s12 =	simm.s32 $0x1200  }
0xa6: {  	s13 =	simm.s32 $0x10;
	[tilespmem:s12+$0x0] =	vst v1  }
0xa7: {  	s14 =	simm.s32 $0x80;
	s15 =	simm.s32 $0x100;
	v1 =	vld [tilespmem:s13+$0x0]  }
.LBB2_4:
0xa8: {  	p0 =	sne.s32 s15, $0xF80  }
0xa9: {  	v2 =	vmov s14;
	s14 =	smov.u32 s15  }
0xaa: {  	v2 =	vshrl.u32 v2, $0x7  }
0xab: {  	v2 =	vshll.u32 v2, $0x7  }
0xac: {  	v2 =	vbroadcast v2, $0x0;
	v1 =	vshrl.u32 v1, $0x11  }
0xad: {  	v1 =	vand.u32 $0x7, v1  }
0xae: {  	v1 =	vor.u32 v1, v2  }
0xaf: {  	v1 =	vor.u32 v0, v1;
	_ =	sdelay $0x4  }
0xb0: {  	v1 =	vld.idx.msk [tilespmem:v1+s9+$0x0], $0xffff;
	_ =	sdelay $0x2  }
.Ltmp1:
0xb1: {  	(pc) =	sbr.rel @p0 .LBB2_4-.Ltmp1, $4  }
0xb2: {  	_ = 	snop  }
0xb3: {  	s12 =	sadd.s32 $0x10, s12  }
0xb4: {  	s13 =	sadd.s32 $0x10, s13;
	[tilespmem:s12+$0x0] =	vst v1  }
0xb5: {  	s15 =	sadd.s32 $0x80, s15;
	v1 =	vld [tilespmem:s13+$0x0]  }
0xb6: {  	_ = 	snop  }
0xb7: {  	v2 =	vmov s14  }
0xb8: {  	v2 =	vshrl.u32 v2, $0x7  }
0xb9: {  	v2 =	vshll.u32 v2, $0x7  }
0xba: {  	v2 =	vbroadcast v2, $0x0;
	v1 =	vshrl.u32 v1, $0x11  }
0xbb: {  	v1 =	vand.u32 $0x7, v1  }
0xbc: {  	v1 =	vor.u32 v1, v2  }
0xbd: {  	v1 =	vor.u32 v0, v1;
	_ =	sdelay $0x4  }
0xbe: {  	v1 =	vld.idx.msk [tilespmem:v1+s9+$0x0], $0xffff;
	_ =	sdelay $0x2  }
0xbf: {  	s11 =	sadd.s32 $0x1, s11  }
0xc0: {  	s12 =	sadd.s32 $0x10, s12;
	p0 =	sne.s32 s11, s6  }
.Ltmp2:
0xc1: {  	[tilespmem:s12+$0x0] =	vst v1;
	(pc) =	sbr.rel @p0 .LBB2_1-.Ltmp2, $4  }
0xc2: {  	[hbm4b:s5+s3] =	stream.linear.scatter [tilespmem:s10], [sflag:$0x2], $0x200, $0x38;
	[tilespmem:$0x1400] =	vst v63  }
0xc3: {  	_ =	swait.ge [sflag:s7], $0x200  }
0xc4: {  	[sflag:s7] =	ssyncset.done $0x0  }
0xc5: {  	[sflag:s7] =	ssyncadd.s32 $0xFFFFFE00  }
0xc6: {  	_ =	sfence.sel $0x180000  }
0xc7: {  	[bflag:$0x0] =	sbarrier.arrive $0xFFFF  }
0xc8: {  	p0 =	sne.s32 s1, $0x0;
	_ =	strace $0x90000047  }
0xc9: {  	s0 =	sadd.s32 @!p0 $0x100000, s0;
	[bflag:$0x2] =	sbarrier.arrive $0xFFFF  }
0xca: {  	[sflag:s0] =	ssyncadd.tile.s32 @!p0 $0x1;
	_ =	shalt  }
.Lfunc_end2:
_tile_overlayer_lowered:
.L_overlay_start_2:
0xcb: {  	(tag) =	ssettag $0x2  }
0xcc: {  	s0 =	rddreg [dreg:$0x0];
	s2 =	stileid.u32  }
0xcd: {  	s1 =	rddreg [dreg:$0x1];
	p0 =	sne.s32 s2, $0x0  }
0xce: {  	s3 =	rddreg [dreg:$0x2];
	[bflag:$0x3] =	sbarrier.arrive $0xFFFF;
	s2 =	simm.s32 @!p0 $0x1C02  }
0xcf: {  	[timem:s3], [sflag:s2] =	dma.local @!p0 [hbm:s0], s1  }
0xd0: {  	s0 =	simm.s32 @!p0 $0x2  }
0xd1: {  	_ =	swait.ge @!p0 [sflag:s0], s1  }
0xd2: {  	s1 =	ssub.s32 @!p0 $0x0, s1;
	[sflag:s0] =	ssyncset.done @!p0 $0x0  }
0xd3: {  	[sflag:s0] =	ssyncadd.s32 @!p0 s1  }
0xd4: {  	[bflag:$0x3] =	sbarrier.arrive $0xFFFF  }
0xd5: {  	_ =	shalt  }

</sc_bundles>
